<compile_context>
chip_gen: v7x
topology: tpu7x:2x2x1
jax: 0.10.2.dev20260603
libtpu: 0.0.44.dev20260713+nightly
codegen_flags: <defaults>
</compile_context>

<pallas_src>
import functools

import jax
import jax.numpy as jnp
from jax import lax
from jax.experimental import pallas as pl
from jax.experimental.pallas import tpu as pltpu
from jax.experimental.pallas import tpu_sc as plsc

BATCH = 4096
MAX_LEN = 200
EMB = 64
PAD_EMB = 128
VROWS = 1000002
TOTAL = BATCH * MAX_LEN
CHUNK = 128
NBUF = 5


def _make_gather(num_workers: int, nc: int):
    chunks_per_w = TOTAL // (CHUNK * num_workers)
    nsteps = chunks_per_w // NBUF

    mesh = plsc.VectorSubcoreMesh(core_axis_name="c", subcore_axis_name="s")

    @functools.partial(
        pl.kernel,
        out_type=jax.ShapeDtypeStruct((TOTAL, PAD_EMB), jnp.float32),
        mesh=mesh,
        scratch_types=[
            pltpu.VMEM((chunks_per_w, CHUNK), jnp.int32),
            [pltpu.VMEM((CHUNK, PAD_EMB), jnp.float32) for _ in range(NBUF)],
            pltpu.SemaphoreType.DMA((NBUF,)),
            pltpu.SemaphoreType.DMA((NBUF,)),
        ],
    )
    def gather_kernel(table_hbm, idx_hbm, out_hbm, idx_v, rows, gsem, osem):
        wid = lax.axis_index("s") * nc + lax.axis_index("c")
        row0 = wid * chunks_per_w
        pltpu.sync_copy(idx_hbm.at[pl.ds(row0, chunks_per_w)], idx_v)

        def start_gather(g, b):
            pltpu.async_copy(table_hbm.at[idx_v.at[g]], rows[b], gsem.at[b])

        def start_out(g, b):
            pltpu.async_copy(
                rows[b],
                out_hbm.at[pl.ds((row0 + g) * CHUNK, CHUNK)],
                osem.at[b],
            )

        def wait_gather(b):
            pltpu.make_async_copy(
                table_hbm.at[idx_v.at[0]], rows[b], gsem.at[b]
            ).wait()

        def wait_out(b):
            pltpu.make_async_copy(
                rows[b], out_hbm.at[pl.ds(0, CHUNK)], osem.at[b]
            ).wait()

        for b in range(NBUF):
            start_gather(b, b)

        def body(i, carry):
            g0 = i * NBUF
            for b in range(NBUF):
                wait_gather(b)
                start_out(g0 + b, b)
            for b in range(NBUF):
                wait_out(b)
                start_gather(g0 + NBUF + b, b)
            return carry

        lax.fori_loop(0, nsteps - 1, body, 0)

        g0 = (nsteps - 1) * NBUF
        for b in range(NBUF):
            wait_gather(b)
            start_out(g0 + b, b)
        for b in range(NBUF):
            wait_out(b)

    return gather_kernel


def kernel(x, W):
    info = plsc.get_sparse_core_info()
    nw = info.num_cores * info.num_subcores
    W128 = jnp.pad(W, ((0, 0), (0, PAD_EMB - EMB)))
    idx = x.reshape(TOTAL // CHUNK, CHUNK)
    out = _make_gather(nw, info.num_cores)(W128, idx)
    return out[:, :EMB].reshape(BATCH, MAX_LEN, EMB)

# --- scband reference (transcript-rebuilt; emitter-appended) ---
"""Pipeline reference for scband-embedding-46291157516295 (READ-ONLY COPY).

The authoritative reference and input builder live on the scoring server;
editing this copy changes nothing except your own understanding.
"""

import jax, jax.numpy as jnp
import numpy as np

VOCAB = 1000000
EMB = 64
BATCH = 4096
MAX_LEN = 200

def setup_inputs(seed: int = 0) -> dict:
    key = jax.random.key(seed)
    k1, k2 = jax.random.split(key)
    # indices into word embedding table (table has vocab_size + 2 rows after pad/unk prepend)
    x = jax.random.randint(k1, (BATCH, MAX_LEN), 0, VOCAB, dtype=jnp.int32)
    # word embedding table: pad row (zeros) + unk row + kaiming-init weights
    W_main = jax.random.normal(k2, (VOCAB, EMB), dtype=jnp.float32) * (np.sqrt(2.0 / EMB))
    pad = jnp.zeros((1, EMB), dtype=jnp.float32)
    unk = jax.random.uniform(jax.random.fold_in(k2, 1), (1, EMB), minval=-1.0, maxval=1.0, dtype=jnp.float32)
    W = jnp.concatenate([pad, unk, W_main], axis=0)  # (VOCAB + 2, EMB)
    return {"x": x, "W": W}

def reference(x, W):
    # forward of Embedding with use_pos=False, use_char=False
    # dropout is identity in eval/reference mode
    word_emb = jnp.take(W, x, axis=0)  # (BATCH, MAX_LEN, EMB)
    return word_emb

if __name__ == "__main__":
    import jax
    _d = setup_inputs()
    print(jax.jit(kernel)(*tuple(_d.values())))

</pallas_src>

<mosaic_0001>
#map = affine_map<(d0, d1) -> (0, 0)>
module attributes {stable_mosaic.version = 14 : i64} {
  func.func @gather_kernel(%arg0: i32, %arg1: i32, %arg2: memref<1000002x128xf32, #tpu.memory_space<hbm>>, %arg3: memref<6400x128xi32, #tpu.memory_space<hbm>>, %arg4: memref<819200x128xf32, #tpu.memory_space<hbm>>, %arg5: memref<200x128xi32, #tpu.memory_space<vmem>>, %arg6: memref<128x128xf32, #tpu.memory_space<vmem>>, %arg7: memref<128x128xf32, #tpu.memory_space<vmem>>, %arg8: memref<128x128xf32, #tpu.memory_space<vmem>>, %arg9: memref<128x128xf32, #tpu.memory_space<vmem>>, %arg10: memref<128x128xf32, #tpu.memory_space<vmem>>, %arg11: memref<5x!tpu.dma_semaphore, #tpu.memory_space<semaphore_mem>>, %arg12: memref<5x!tpu.dma_semaphore, #tpu.memory_space<semaphore_mem>>) attributes {dimension_semantics = [#tpu.dimension_semantics<core_parallel>, #tpu.dimension_semantics<subcore_parallel>], iteration_bounds = array<i64: 2, 16>, scalar_prefetch = 0 : i64, scratch_operands = 8 : i64, tpu.core_type = #tpu.core_type<sc_vector_subcore>, window_params = [{transform_indices = #map}, {transform_indices = #map}, {transform_indices = #map}]} {
    %mul3A = arith.constant 2 : i32
    %mul3A_0 = arith.muli %arg1, %mul3A : i32
    %add3A = arith.addi %mul3A_0, %arg0 : i32
    %mul3A_1 = arith.constant 200 : i32
    %mul3A_2 = arith.muli %add3A, %mul3A_1 : i32
    "tpu.region"() ({
      %run_scoped3A = tpu.sem_alloc : memref<!tpu.dma_semaphore, #tpu.memory_space<semaphore_mem>>
      %dma_start3A_206 = arith.constant 0 : i32
      %dma_start3A_207 = tpu.memref_slice %arg3[%mul3A_2, %dma_start3A_206] : memref<6400x128xi32, #tpu.memory_space<hbm>> -> memref<200x128xi32, #tpu.memory_space<hbm>>
      %dma_start3A_208 = arith.constant 0 : i32
      %dma_start3A_209 = tpu.memref_slice %arg3[%mul3A_2, %dma_start3A_208] : memref<6400x128xi32, #tpu.memory_space<hbm>> -> memref<200x128xi32, #tpu.memory_space<hbm>>
      tpu.enqueue_dma source(%dma_start3A_209 : memref<200x128xi32, #tpu.memory_space<hbm>>) target(%arg5 : memref<200x128xi32, #tpu.memory_space<vmem>>) target_semaphore(%run_scoped3A : memref<!tpu.dma_semaphore, #tpu.memory_space<semaphore_mem>>)
      %dma_wait3A_210 = arith.constant 0 : i32
      %dma_wait3A_211 = tpu.memref_slice %arg3[%mul3A_2, %dma_wait3A_210] : memref<6400x128xi32, #tpu.memory_space<hbm>> -> memref<200x128xi32, #tpu.memory_space<hbm>>
      %dma_wait3A_212 = arith.constant 0 : i32
      %dma_wait3A_213 = tpu.memref_slice %arg3[%mul3A_2, %dma_wait3A_212] : memref<6400x128xi32, #tpu.memory_space<hbm>> -> memref<200x128xi32, #tpu.memory_space<hbm>>
      tpu.wait_dma2 semaphore(%run_scoped3A : memref<!tpu.dma_semaphore, #tpu.memory_space<semaphore_mem>>) src(%dma_wait3A_213 : memref<200x128xi32, #tpu.memory_space<hbm>>) dst(%arg5 : memref<200x128xi32, #tpu.memory_space<vmem>>)
      tpu.yield
    }) : () -> ()
    %dma_start3A = arith.constant 0 : i32
    %dma_start3A_3 = arith.constant 0 : i32
    %dma_start3A_4 = arith.constant 0 : i32
    %dma_start3A_5 = tpu.memref_slice %arg5[%dma_start3A, %dma_start3A_4] : memref<200x128xi32, #tpu.memory_space<vmem>> -> memref<1x128xi32, #tpu.memory_space<vmem>>
    %dma_start3A_6 = tpu.memref_squeeze %dma_start3A_5 : memref<1x128xi32, #tpu.memory_space<vmem>> -> memref<128xi32, #tpu.memory_space<vmem>>
    %dma_start3A_7 = arith.constant 0 : i32
    %dma_start3A_8 = arith.constant 0 : i32
    %dma_start3A_9 = tpu.memref_slice %arg2[%dma_start3A_7, %dma_start3A_8] : memref<1000002x128xf32, #tpu.memory_space<hbm>> -> memref<1000002x128xf32, #tpu.memory_space<hbm>>
    %dma_start3A_10 = tpu.memref_slice %arg11[%dma_start3A_3] : memref<5x!tpu.dma_semaphore, #tpu.memory_space<semaphore_mem>> -> memref<1x!tpu.dma_semaphore, #tpu.memory_space<semaphore_mem>>
    %dma_start3A_11 = tpu.memref_squeeze %dma_start3A_10 : memref<1x!tpu.dma_semaphore, #tpu.memory_space<semaphore_mem>> -> memref<!tpu.dma_semaphore, #tpu.memory_space<semaphore_mem>>
    tpu.enqueue_indirect_dma source(%dma_start3A_9 : memref<1000002x128xf32, #tpu.memory_space<hbm>>) target(%arg6 : memref<128x128xf32, #tpu.memory_space<vmem>>) offsets(%dma_start3A_6 : memref<128xi32, #tpu.memory_space<vmem>>) semaphore(%dma_start3A_11 : memref<!tpu.dma_semaphore, #tpu.memory_space<semaphore_mem>>)
    %dma_start3A_12 = arith.constant 1 : i32
    %dma_start3A_13 = arith.constant 1 : i32
    %dma_start3A_14 = arith.constant 0 : i32
    %dma_start3A_15 = tpu.memref_slice %arg5[%dma_start3A_12, %dma_start3A_14] : memref<200x128xi32, #tpu.memory_space<vmem>> -> memref<1x128xi32, #tpu.memory_space<vmem>>
    %dma_start3A_16 = tpu.memref_squeeze %dma_start3A_15 : memref<1x128xi32, #tpu.memory_space<vmem>> -> memref<128xi32, #tpu.memory_space<vmem>>
    %dma_start3A_17 = arith.constant 0 : i32
    %dma_start3A_18 = arith.constant 0 : i32
    %dma_start3A_19 = tpu.memref_slice %arg2[%dma_start3A_17, %dma_start3A_18] : memref<1000002x128xf32, #tpu.memory_space<hbm>> -> memref<1000002x128xf32, #tpu.memory_space<hbm>>
    %dma_start3A_20 = tpu.memref_slice %arg11[%dma_start3A_13] : memref<5x!tpu.dma_semaphore, #tpu.memory_space<semaphore_mem>> -> memref<1x!tpu.dma_semaphore, #tpu.memory_space<semaphore_mem>>
    %dma_start3A_21 = tpu.memref_squeeze %dma_start3A_20 : memref<1x!tpu.dma_semaphore, #tpu.memory_space<semaphore_mem>> -> memref<!tpu.dma_semaphore, #tpu.memory_space<semaphore_mem>>
    tpu.enqueue_indirect_dma source(%dma_start3A_19 : memref<1000002x128xf32, #tpu.memory_space<hbm>>) target(%arg7 : memref<128x128xf32, #tpu.memory_space<vmem>>) offsets(%dma_start3A_16 : memref<128xi32, #tpu.memory_space<vmem>>) semaphore(%dma_start3A_21 : memref<!tpu.dma_semaphore, #tpu.memory_space<semaphore_mem>>)
    %dma_start3A_22 = arith.constant 2 : i32
    %dma_start3A_23 = arith.constant 2 : i32
    %dma_start3A_24 = arith.constant 0 : i32
    %dma_start3A_25 = tpu.memref_slice %arg5[%dma_start3A_22, %dma_start3A_24] : memref<200x128xi32, #tpu.memory_space<vmem>> -> memref<1x128xi32, #tpu.memory_space<vmem>>
    %dma_start3A_26 = tpu.memref_squeeze %dma_start3A_25 : memref<1x128xi32, #tpu.memory_space<vmem>> -> memref<128xi32, #tpu.memory_space<vmem>>
    %dma_start3A_27 = arith.constant 0 : i32
    %dma_start3A_28 = arith.constant 0 : i32
    %dma_start3A_29 = tpu.memref_slice %arg2[%dma_start3A_27, %dma_start3A_28] : memref<1000002x128xf32, #tpu.memory_space<hbm>> -> memref<1000002x128xf32, #tpu.memory_space<hbm>>
    %dma_start3A_30 = tpu.memref_slice %arg11[%dma_start3A_23] : memref<5x!tpu.dma_semaphore, #tpu.memory_space<semaphore_mem>> -> memref<1x!tpu.dma_semaphore, #tpu.memory_space<semaphore_mem>>
    %dma_start3A_31 = tpu.memref_squeeze %dma_start3A_30 : memref<1x!tpu.dma_semaphore, #tpu.memory_space<semaphore_mem>> -> memref<!tpu.dma_semaphore, #tpu.memory_space<semaphore_mem>>
    tpu.enqueue_indirect_dma source(%dma_start3A_29 : memref<1000002x128xf32, #tpu.memory_space<hbm>>) target(%arg8 : memref<128x128xf32, #tpu.memory_space<vmem>>) offsets(%dma_start3A_26 : memref<128xi32, #tpu.memory_space<vmem>>) semaphore(%dma_start3A_31 : memref<!tpu.dma_semaphore, #tpu.memory_space<semaphore_mem>>)
    %dma_start3A_32 = arith.constant 3 : i32
    %dma_start3A_33 = arith.constant 3 : i32
    %dma_start3A_34 = arith.constant 0 : i32
    %dma_start3A_35 = tpu.memref_slice %arg5[%dma_start3A_32, %dma_start3A_34] : memref<200x128xi32, #tpu.memory_space<vmem>> -> memref<1x128xi32, #tpu.memory_space<vmem>>
    %dma_start3A_36 = tpu.memref_squeeze %dma_start3A_35 : memref<1x128xi32, #tpu.memory_space<vmem>> -> memref<128xi32, #tpu.memory_space<vmem>>
    %dma_start3A_37 = arith.constant 0 : i32
    %dma_start3A_38 = arith.constant 0 : i32
    %dma_start3A_39 = tpu.memref_slice %arg2[%dma_start3A_37, %dma_start3A_38] : memref<1000002x128xf32, #tpu.memory_space<hbm>> -> memref<1000002x128xf32, #tpu.memory_space<hbm>>
    %dma_start3A_40 = tpu.memref_slice %arg11[%dma_start3A_33] : memref<5x!tpu.dma_semaphore, #tpu.memory_space<semaphore_mem>> -> memref<1x!tpu.dma_semaphore, #tpu.memory_space<semaphore_mem>>
    %dma_start3A_41 = tpu.memref_squeeze %dma_start3A_40 : memref<1x!tpu.dma_semaphore, #tpu.memory_space<semaphore_mem>> -> memref<!tpu.dma_semaphore, #tpu.memory_space<semaphore_mem>>
    tpu.enqueue_indirect_dma source(%dma_start3A_39 : memref<1000002x128xf32, #tpu.memory_space<hbm>>) target(%arg9 : memref<128x128xf32, #tpu.memory_space<vmem>>) offsets(%dma_start3A_36 : memref<128xi32, #tpu.memory_space<vmem>>) semaphore(%dma_start3A_41 : memref<!tpu.dma_semaphore, #tpu.memory_space<semaphore_mem>>)
    %dma_start3A_42 = arith.constant 4 : i32
    %dma_start3A_43 = arith.constant 4 : i32
    %dma_start3A_44 = arith.constant 0 : i32
    %dma_start3A_45 = tpu.memref_slice %arg5[%dma_start3A_42, %dma_start3A_44] : memref<200x128xi32, #tpu.memory_space<vmem>> -> memref<1x128xi32, #tpu.memory_space<vmem>>
    %dma_start3A_46 = tpu.memref_squeeze %dma_start3A_45 : memref<1x128xi32, #tpu.memory_space<vmem>> -> memref<128xi32, #tpu.memory_space<vmem>>
    %dma_start3A_47 = arith.constant 0 : i32
    %dma_start3A_48 = arith.constant 0 : i32
    %dma_start3A_49 = tpu.memref_slice %arg2[%dma_start3A_47, %dma_start3A_48] : memref<1000002x128xf32, #tpu.memory_space<hbm>> -> memref<1000002x128xf32, #tpu.memory_space<hbm>>
    %dma_start3A_50 = tpu.memref_slice %arg11[%dma_start3A_43] : memref<5x!tpu.dma_semaphore, #tpu.memory_space<semaphore_mem>> -> memref<1x!tpu.dma_semaphore, #tpu.memory_space<semaphore_mem>>
    %dma_start3A_51 = tpu.memref_squeeze %dma_start3A_50 : memref<1x!tpu.dma_semaphore, #tpu.memory_space<semaphore_mem>> -> memref<!tpu.dma_semaphore, #tpu.memory_space<semaphore_mem>>
    tpu.enqueue_indirect_dma source(%dma_start3A_49 : memref<1000002x128xf32, #tpu.memory_space<hbm>>) target(%arg10 : memref<128x128xf32, #tpu.memory_space<vmem>>) offsets(%dma_start3A_46 : memref<128xi32, #tpu.memory_space<vmem>>) semaphore(%dma_start3A_51 : memref<!tpu.dma_semaphore, #tpu.memory_space<semaphore_mem>>)
    %scan3A = arith.constant 0 : i32
    %scan3A_52 = arith.constant 0 : i32
    %scan3A_53 = arith.constant 39 : i32
    %scan3A_54 = arith.addi %scan3A_52, %scan3A_53 : i32
    %scan3A_55 = arith.constant 1 : i32
    scf.for %scan3A_206 = %scan3A_52 to %scan3A_54 step %scan3A_55  : i32 {
      %mul3A_207 = arith.constant 5 : i32
      %mul3A_208 = arith.muli %scan3A_206, %mul3A_207 : i32
      %dma_wait3A_209 = arith.constant 0 : i32
      %dma_wait3A_210 = arith.constant 0 : i32
      %dma_wait3A_211 = arith.constant 0 : i32
      %dma_wait3A_212 = tpu.memref_slice %arg5[%dma_wait3A_209, %dma_wait3A_211] : memref<200x128xi32, #tpu.memory_space<vmem>> -> memref<1x128xi32, #tpu.memory_space<vmem>>
      %dma_wait3A_213 = tpu.memref_squeeze %dma_wait3A_212 : memref<1x128xi32, #tpu.memory_space<vmem>> -> memref<128xi32, #tpu.memory_space<vmem>>
      %dma_wait3A_214 = arith.constant 0 : i32
      %dma_wait3A_215 = arith.constant 0 : i32
      %dma_wait3A_216 = tpu.memref_slice %arg2[%dma_wait3A_214, %dma_wait3A_215] : memref<1000002x128xf32, #tpu.memory_space<hbm>> -> memref<1000002x128xf32, #tpu.memory_space<hbm>>
      %dma_wait3A_217 = tpu.memref_slice %arg11[%dma_wait3A_210] : memref<5x!tpu.dma_semaphore, #tpu.memory_space<semaphore_mem>> -> memref<1x!tpu.dma_semaphore, #tpu.memory_space<semaphore_mem>>
      %dma_wait3A_218 = tpu.memref_squeeze %dma_wait3A_217 : memref<1x!tpu.dma_semaphore, #tpu.memory_space<semaphore_mem>> -> memref<!tpu.dma_semaphore, #tpu.memory_space<semaphore_mem>>
      tpu.wait_indirect_dma semaphore(%dma_wait3A_218 : memref<!tpu.dma_semaphore, #tpu.memory_space<semaphore_mem>>) src(%dma_wait3A_216 : memref<1000002x128xf32, #tpu.memory_space<hbm>>) dst(%arg6 : memref<128x128xf32, #tpu.memory_space<vmem>>)
      %add3A_219 = arith.constant 0 : i32
      %add3A_220 = arith.addi %mul3A_208, %add3A_219 : i32
      %add3A_221 = arith.addi %mul3A_2, %add3A_220 : i32
      %mul3A_222 = arith.constant 128 : i32
      %mul3A_223 = arith.muli %add3A_221, %mul3A_222 : i32
      %dma_start3A_224 = arith.constant 0 : i32
      %dma_start3A_225 = arith.constant 0 : i32
      %dma_start3A_226 = tpu.memref_slice %arg4[%mul3A_223, %dma_start3A_225] : memref<819200x128xf32, #tpu.memory_space<hbm>> -> memref<128x128xf32, #tpu.memory_space<hbm>>
      %dma_start3A_227 = tpu.memref_slice %arg12[%dma_start3A_224] : memref<5x!tpu.dma_semaphore, #tpu.memory_space<semaphore_mem>> -> memref<1x!tpu.dma_semaphore, #tpu.memory_space<semaphore_mem>>
      %dma_start3A_228 = tpu.memref_squeeze %dma_start3A_227 : memref<1x!tpu.dma_semaphore, #tpu.memory_space<semaphore_mem>> -> memref<!tpu.dma_semaphore, #tpu.memory_space<semaphore_mem>>
      %dma_start3A_229 = arith.constant 0 : i32
      %dma_start3A_230 = tpu.memref_slice %arg4[%mul3A_223, %dma_start3A_229] : memref<819200x128xf32, #tpu.memory_space<hbm>> -> memref<128x128xf32, #tpu.memory_space<hbm>>
      tpu.enqueue_dma source(%arg6 : memref<128x128xf32, #tpu.memory_space<vmem>>) target(%dma_start3A_230 : memref<128x128xf32, #tpu.memory_space<hbm>>) target_semaphore(%dma_start3A_228 : memref<!tpu.dma_semaphore, #tpu.memory_space<semaphore_mem>>)
      %dma_wait3A_231 = arith.constant 0 : i32
      %dma_wait3A_232 = arith.constant 1 : i32
      %dma_wait3A_233 = arith.constant 0 : i32
      %dma_wait3A_234 = tpu.memref_slice %arg5[%dma_wait3A_231, %dma_wait3A_233] : memref<200x128xi32, #tpu.memory_space<vmem>> -> memref<1x128xi32, #tpu.memory_space<vmem>>
      %dma_wait3A_235 = tpu.memref_squeeze %dma_wait3A_234 : memref<1x128xi32, #tpu.memory_space<vmem>> -> memref<128xi32, #tpu.memory_space<vmem>>
      %dma_wait3A_236 = arith.constant 0 : i32
      %dma_wait3A_237 = arith.constant 0 : i32
      %dma_wait3A_238 = tpu.memref_slice %arg2[%dma_wait3A_236, %dma_wait3A_237] : memref<1000002x128xf32, #tpu.memory_space<hbm>> -> memref<1000002x128xf32, #tpu.memory_space<hbm>>
      %dma_wait3A_239 = tpu.memref_slice %arg11[%dma_wait3A_232] : memref<5x!tpu.dma_semaphore, #tpu.memory_space<semaphore_mem>> -> memref<1x!tpu.dma_semaphore, #tpu.memory_space<semaphore_mem>>
      %dma_wait3A_240 = tpu.memref_squeeze %dma_wait3A_239 : memref<1x!tpu.dma_semaphore, #tpu.memory_space<semaphore_mem>> -> memref<!tpu.dma_semaphore, #tpu.memory_space<semaphore_mem>>
      tpu.wait_indirect_dma semaphore(%dma_wait3A_240 : memref<!tpu.dma_semaphore, #tpu.memory_space<semaphore_mem>>) src(%dma_wait3A_238 : memref<1000002x128xf32, #tpu.memory_space<hbm>>) dst(%arg7 : memref<128x128xf32, #tpu.memory_space<vmem>>)
      %add3A_241 = arith.constant 1 : i32
      %add3A_242 = arith.addi %mul3A_208, %add3A_241 : i32
      %add3A_243 = arith.addi %mul3A_2, %add3A_242 : i32
      %mul3A_244 = arith.constant 128 : i32
      %mul3A_245 = arith.muli %add3A_243, %mul3A_244 : i32
      %dma_start3A_246 = arith.constant 1 : i32
      %dma_start3A_247 = arith.constant 0 : i32
      %dma_start3A_248 = tpu.memref_slice %arg4[%mul3A_245, %dma_start3A_247] : memref<819200x128xf32, #tpu.memory_space<hbm>> -> memref<128x128xf32, #tpu.memory_space<hbm>>
      %dma_start3A_249 = tpu.memref_slice %arg12[%dma_start3A_246] : memref<5x!tpu.dma_semaphore, #tpu.memory_space<semaphore_mem>> -> memref<1x!tpu.dma_semaphore, #tpu.memory_space<semaphore_mem>>
      %dma_start3A_250 = tpu.memref_squeeze %dma_start3A_249 : memref<1x!tpu.dma_semaphore, #tpu.memory_space<semaphore_mem>> -> memref<!tpu.dma_semaphore, #tpu.memory_space<semaphore_mem>>
      %dma_start3A_251 = arith.constant 0 : i32
      %dma_start3A_252 = tpu.memref_slice %arg4[%mul3A_245, %dma_start3A_251] : memref<819200x128xf32, #tpu.memory_space<hbm>> -> memref<128x128xf32, #tpu.memory_space<hbm>>
      tpu.enqueue_dma source(%arg7 : memref<128x128xf32, #tpu.memory_space<vmem>>) target(%dma_start3A_252 : memref<128x128xf32, #tpu.memory_space<hbm>>) target_semaphore(%dma_start3A_250 : memref<!tpu.dma_semaphore, #tpu.memory_space<semaphore_mem>>)
      %dma_wait3A_253 = arith.constant 0 : i32
      %dma_wait3A_254 = arith.constant 2 : i32
      %dma_wait3A_255 = arith.constant 0 : i32
      %dma_wait3A_256 = tpu.memref_slice %arg5[%dma_wait3A_253, %dma_wait3A_255] : memref<200x128xi32, #tpu.memory_space<vmem>> -> memref<1x128xi32, #tpu.memory_space<vmem>>
      %dma_wait3A_257 = tpu.memref_squeeze %dma_wait3A_256 : memref<1x128xi32, #tpu.memory_space<vmem>> -> memref<128xi32, #tpu.memory_space<vmem>>
      %dma_wait3A_258 = arith.constant 0 : i32
      %dma_wait3A_259 = arith.constant 0 : i32
      %dma_wait3A_260 = tpu.memref_slice %arg2[%dma_wait3A_258, %dma_wait3A_259] : memref<1000002x128xf32, #tpu.memory_space<hbm>> -> memref<1000002x128xf32, #tpu.memory_space<hbm>>
      %dma_wait3A_261 = tpu.memref_slice %arg11[%dma_wait3A_254] : memref<5x!tpu.dma_semaphore, #tpu.memory_space<semaphore_mem>> -> memref<1x!tpu.dma_semaphore, #tpu.memory_space<semaphore_mem>>
      %dma_wait3A_262 = tpu.memref_squeeze %dma_wait3A_261 : memref<1x!tpu.dma_semaphore, #tpu.memory_space<semaphore_mem>> -> memref<!tpu.dma_semaphore, #tpu.memory_space<semaphore_mem>>
      tpu.wait_indirect_dma semaphore(%dma_wait3A_262 : memref<!tpu.dma_semaphore, #tpu.memory_space<semaphore_mem>>) src(%dma_wait3A_260 : memref<1000002x128xf32, #tpu.memory_space<hbm>>) dst(%arg8 : memref<128x128xf32, #tpu.memory_space<vmem>>)
      %add3A_263 = arith.constant 2 : i32
      %add3A_264 = arith.addi %mul3A_208, %add3A_263 : i32
      %add3A_265 = arith.addi %mul3A_2, %add3A_264 : i32
      %mul3A_266 = arith.constant 128 : i32
      %mul3A_267 = arith.muli %add3A_265, %mul3A_266 : i32
      %dma_start3A_268 = arith.constant 2 : i32
      %dma_start3A_269 = arith.constant 0 : i32
      %dma_start3A_270 = tpu.memref_slice %arg4[%mul3A_267, %dma_start3A_269] : memref<819200x128xf32, #tpu.memory_space<hbm>> -> memref<128x128xf32, #tpu.memory_space<hbm>>
      %dma_start3A_271 = tpu.memref_slice %arg12[%dma_start3A_268] : memref<5x!tpu.dma_semaphore, #tpu.memory_space<semaphore_mem>> -> memref<1x!tpu.dma_semaphore, #tpu.memory_space<semaphore_mem>>
      %dma_start3A_272 = tpu.memref_squeeze %dma_start3A_271 : memref<1x!tpu.dma_semaphore, #tpu.memory_space<semaphore_mem>> -> memref<!tpu.dma_semaphore, #tpu.memory_space<semaphore_mem>>
      %dma_start3A_273 = arith.constant 0 : i32
      %dma_start3A_274 = tpu.memref_slice %arg4[%mul3A_267, %dma_start3A_273] : memref<819200x128xf32, #tpu.memory_space<hbm>> -> memref<128x128xf32, #tpu.memory_space<hbm>>
      tpu.enqueue_dma source(%arg8 : memref<128x128xf32, #tpu.memory_space<vmem>>) target(%dma_start3A_274 : memref<128x128xf32, #tpu.memory_space<hbm>>) target_semaphore(%dma_start3A_272 : memref<!tpu.dma_semaphore, #tpu.memory_space<semaphore_mem>>)
      %dma_wait3A_275 = arith.constant 0 : i32
      %dma_wait3A_276 = arith.constant 3 : i32
      %dma_wait3A_277 = arith.constant 0 : i32
      %dma_wait3A_278 = tpu.memref_slice %arg5[%dma_wait3A_275, %dma_wait3A_277] : memref<200x128xi32, #tpu.memory_space<vmem>> -> memref<1x128xi32, #tpu.memory_space<vmem>>
      %dma_wait3A_279 = tpu.memref_squeeze %dma_wait3A_278 : memref<1x128xi32, #tpu.memory_space<vmem>> -> memref<128xi32, #tpu.memory_space<vmem>>
      %dma_wait3A_280 = arith.constant 0 : i32
      %dma_wait3A_281 = arith.constant 0 : i32
      %dma_wait3A_282 = tpu.memref_slice %arg2[%dma_wait3A_280, %dma_wait3A_281] : memref<1000002x128xf32, #tpu.memory_space<hbm>> -> memref<1000002x128xf32, #tpu.memory_space<hbm>>
      %dma_wait3A_283 = tpu.memref_slice %arg11[%dma_wait3A_276] : memref<5x!tpu.dma_semaphore, #tpu.memory_space<semaphore_mem>> -> memref<1x!tpu.dma_semaphore, #tpu.memory_space<semaphore_mem>>
      %dma_wait3A_284 = tpu.memref_squeeze %dma_wait3A_283 : memref<1x!tpu.dma_semaphore, #tpu.memory_space<semaphore_mem>> -> memref<!tpu.dma_semaphore, #tpu.memory_space<semaphore_mem>>
      tpu.wait_indirect_dma semaphore(%dma_wait3A_284 : memref<!tpu.dma_semaphore, #tpu.memory_space<semaphore_mem>>) src(%dma_wait3A_282 : memref<1000002x128xf32, #tpu.memory_space<hbm>>) dst(%arg9 : memref<128x128xf32, #tpu.memory_space<vmem>>)
      %add3A_285 = arith.constant 3 : i32
      %add3A_286 = arith.addi %mul3A_208, %add3A_285 : i32
      %add3A_287 = arith.addi %mul3A_2, %add3A_286 : i32
      %mul3A_288 = arith.constant 128 : i32
      %mul3A_289 = arith.muli %add3A_287, %mul3A_288 : i32
      %dma_start3A_290 = arith.constant 3 : i32
      %dma_start3A_291 = arith.constant 0 : i32
      %dma_start3A_292 = tpu.memref_slice %arg4[%mul3A_289, %dma_start3A_291] : memref<819200x128xf32, #tpu.memory_space<hbm>> -> memref<128x128xf32, #tpu.memory_space<hbm>>
      %dma_start3A_293 = tpu.memref_slice %arg12[%dma_start3A_290] : memref<5x!tpu.dma_semaphore, #tpu.memory_space<semaphore_mem>> -> memref<1x!tpu.dma_semaphore, #tpu.memory_space<semaphore_mem>>
      %dma_start3A_294 = tpu.memref_squeeze %dma_start3A_293 : memref<1x!tpu.dma_semaphore, #tpu.memory_space<semaphore_mem>> -> memref<!tpu.dma_semaphore, #tpu.memory_space<semaphore_mem>>
      %dma_start3A_295 = arith.constant 0 : i32
      %dma_start3A_296 = tpu.memref_slice %arg4[%mul3A_289, %dma_start3A_295] : memref<819200x128xf32, #tpu.memory_space<hbm>> -> memref<128x128xf32, #tpu.memory_space<hbm>>
      tpu.enqueue_dma source(%arg9 : memref<128x128xf32, #tpu.memory_space<vmem>>) target(%dma_start3A_296 : memref<128x128xf32, #tpu.memory_space<hbm>>) target_semaphore(%dma_start3A_294 : memref<!tpu.dma_semaphore, #tpu.memory_space<semaphore_mem>>)
      %dma_wait3A_297 = arith.constant 0 : i32
      %dma_wait3A_298 = arith.constant 4 : i32
      %dma_wait3A_299 = arith.constant 0 : i32
      %dma_wait3A_300 = tpu.memref_slice %arg5[%dma_wait3A_297, %dma_wait3A_299] : memref<200x128xi32, #tpu.memory_space<vmem>> -> memref<1x128xi32, #tpu.memory_space<vmem>>
      %dma_wait3A_301 = tpu.memref_squeeze %dma_wait3A_300 : memref<1x128xi32, #tpu.memory_space<vmem>> -> memref<128xi32, #tpu.memory_space<vmem>>
      %dma_wait3A_302 = arith.constant 0 : i32
      %dma_wait3A_303 = arith.constant 0 : i32
      %dma_wait3A_304 = tpu.memref_slice %arg2[%dma_wait3A_302, %dma_wait3A_303] : memref<1000002x128xf32, #tpu.memory_space<hbm>> -> memref<1000002x128xf32, #tpu.memory_space<hbm>>
      %dma_wait3A_305 = tpu.memref_slice %arg11[%dma_wait3A_298] : memref<5x!tpu.dma_semaphore, #tpu.memory_space<semaphore_mem>> -> memref<1x!tpu.dma_semaphore, #tpu.memory_space<semaphore_mem>>
      %dma_wait3A_306 = tpu.memref_squeeze %dma_wait3A_305 : memref<1x!tpu.dma_semaphore, #tpu.memory_space<semaphore_mem>> -> memref<!tpu.dma_semaphore, #tpu.memory_space<semaphore_mem>>
      tpu.wait_indirect_dma semaphore(%dma_wait3A_306 : memref<!tpu.dma_semaphore, #tpu.memory_space<semaphore_mem>>) src(%dma_wait3A_304 : memref<1000002x128xf32, #tpu.memory_space<hbm>>) dst(%arg10 : memref<128x128xf32, #tpu.memory_space<vmem>>)
      %add3A_307 = arith.constant 4 : i32
      %add3A_308 = arith.addi %mul3A_208, %add3A_307 : i32
      %add3A_309 = arith.addi %mul3A_2, %add3A_308 : i32
      %mul3A_310 = arith.constant 128 : i32
      %mul3A_311 = arith.muli %add3A_309, %mul3A_310 : i32
      %dma_start3A_312 = arith.constant 4 : i32
      %dma_start3A_313 = arith.constant 0 : i32
      %dma_start3A_314 = tpu.memref_slice %arg4[%mul3A_311, %dma_start3A_313] : memref<819200x128xf32, #tpu.memory_space<hbm>> -> memref<128x128xf32, #tpu.memory_space<hbm>>
      %dma_start3A_315 = tpu.memref_slice %arg12[%dma_start3A_312] : memref<5x!tpu.dma_semaphore, #tpu.memory_space<semaphore_mem>> -> memref<1x!tpu.dma_semaphore, #tpu.memory_space<semaphore_mem>>
      %dma_start3A_316 = tpu.memref_squeeze %dma_start3A_315 : memref<1x!tpu.dma_semaphore, #tpu.memory_space<semaphore_mem>> -> memref<!tpu.dma_semaphore, #tpu.memory_space<semaphore_mem>>
      %dma_start3A_317 = arith.constant 0 : i32
      %dma_start3A_318 = tpu.memref_slice %arg4[%mul3A_311, %dma_start3A_317] : memref<819200x128xf32, #tpu.memory_space<hbm>> -> memref<128x128xf32, #tpu.memory_space<hbm>>
      tpu.enqueue_dma source(%arg10 : memref<128x128xf32, #tpu.memory_space<vmem>>) target(%dma_start3A_318 : memref<128x128xf32, #tpu.memory_space<hbm>>) target_semaphore(%dma_start3A_316 : memref<!tpu.dma_semaphore, #tpu.memory_space<semaphore_mem>>)
      %dma_wait3A_319 = arith.constant 0 : i32
      %dma_wait3A_320 = arith.constant 0 : i32
      %dma_wait3A_321 = arith.constant 0 : i32
      %dma_wait3A_322 = tpu.memref_slice %arg4[%dma_wait3A_320, %dma_wait3A_321] : memref<819200x128xf32, #tpu.memory_space<hbm>> -> memref<128x128xf32, #tpu.memory_space<hbm>>
      %dma_wait3A_323 = tpu.memref_slice %arg12[%dma_wait3A_319] : memref<5x!tpu.dma_semaphore, #tpu.memory_space<semaphore_mem>> -> memref<1x!tpu.dma_semaphore, #tpu.memory_space<semaphore_mem>>
      %dma_wait3A_324 = tpu.memref_squeeze %dma_wait3A_323 : memref<1x!tpu.dma_semaphore, #tpu.memory_space<semaphore_mem>> -> memref<!tpu.dma_semaphore, #tpu.memory_space<semaphore_mem>>
      %dma_wait3A_325 = arith.constant 0 : i32
      %dma_wait3A_326 = arith.constant 0 : i32
      %dma_wait3A_327 = tpu.memref_slice %arg4[%dma_wait3A_325, %dma_wait3A_326] : memref<819200x128xf32, #tpu.memory_space<hbm>> -> memref<128x128xf32, #tpu.memory_space<hbm>>
      tpu.wait_dma2 semaphore(%dma_wait3A_324 : memref<!tpu.dma_semaphore, #tpu.memory_space<semaphore_mem>>) src(%arg6 : memref<128x128xf32, #tpu.memory_space<vmem>>) dst(%dma_wait3A_327 : memref<128x128xf32, #tpu.memory_space<hbm>>)
      %add3A_328 = arith.constant 5 : i32
      %add3A_329 = arith.addi %mul3A_208, %add3A_328 : i32
      %add3A_330 = arith.constant 0 : i32
      %add3A_331 = arith.addi %add3A_329, %add3A_330 : i32
      %dma_start3A_332 = arith.constant 0 : i32
      %dma_start3A_333 = arith.constant 0 : i32
      %dma_start3A_334 = tpu.memref_slice %arg5[%add3A_331, %dma_start3A_333] : memref<200x128xi32, #tpu.memory_space<vmem>> -> memref<1x128xi32, #tpu.memory_space<vmem>>
      %dma_start3A_335 = tpu.memref_squeeze %dma_start3A_334 : memref<1x128xi32, #tpu.memory_space<vmem>> -> memref<128xi32, #tpu.memory_space<vmem>>
      %dma_start3A_336 = arith.constant 0 : i32
      %dma_start3A_337 = arith.constant 0 : i32
      %dma_start3A_338 = tpu.memref_slice %arg2[%dma_start3A_336, %dma_start3A_337] : memref<1000002x128xf32, #tpu.memory_space<hbm>> -> memref<1000002x128xf32, #tpu.memory_space<hbm>>
      %dma_start3A_339 = tpu.memref_slice %arg11[%dma_start3A_332] : memref<5x!tpu.dma_semaphore, #tpu.memory_space<semaphore_mem>> -> memref<1x!tpu.dma_semaphore, #tpu.memory_space<semaphore_mem>>
      %dma_start3A_340 = tpu.memref_squeeze %dma_start3A_339 : memref<1x!tpu.dma_semaphore, #tpu.memory_space<semaphore_mem>> -> memref<!tpu.dma_semaphore, #tpu.memory_space<semaphore_mem>>
      tpu.enqueue_indirect_dma source(%dma_start3A_338 : memref<1000002x128xf32, #tpu.memory_space<hbm>>) target(%arg6 : memref<128x128xf32, #tpu.memory_space<vmem>>) offsets(%dma_start3A_335 : memref<128xi32, #tpu.memory_space<vmem>>) semaphore(%dma_start3A_340 : memref<!tpu.dma_semaphore, #tpu.memory_space<semaphore_mem>>)
      %dma_wait3A_341 = arith.constant 1 : i32
      %dma_wait3A_342 = arith.constant 0 : i32
      %dma_wait3A_343 = arith.constant 0 : i32
      %dma_wait3A_344 = tpu.memref_slice %arg4[%dma_wait3A_342, %dma_wait3A_343] : memref<819200x128xf32, #tpu.memory_space<hbm>> -> memref<128x128xf32, #tpu.memory_space<hbm>>
      %dma_wait3A_345 = tpu.memref_slice %arg12[%dma_wait3A_341] : memref<5x!tpu.dma_semaphore, #tpu.memory_space<semaphore_mem>> -> memref<1x!tpu.dma_semaphore, #tpu.memory_space<semaphore_mem>>
      %dma_wait3A_346 = tpu.memref_squeeze %dma_wait3A_345 : memref<1x!tpu.dma_semaphore, #tpu.memory_space<semaphore_mem>> -> memref<!tpu.dma_semaphore, #tpu.memory_space<semaphore_mem>>
      %dma_wait3A_347 = arith.constant 0 : i32
      %dma_wait3A_348 = arith.constant 0 : i32
      %dma_wait3A_349 = tpu.memref_slice %arg4[%dma_wait3A_347, %dma_wait3A_348] : memref<819200x128xf32, #tpu.memory_space<hbm>> -> memref<128x128xf32, #tpu.memory_space<hbm>>
      tpu.wait_dma2 semaphore(%dma_wait3A_346 : memref<!tpu.dma_semaphore, #tpu.memory_space<semaphore_mem>>) src(%arg7 : memref<128x128xf32, #tpu.memory_space<vmem>>) dst(%dma_wait3A_349 : memref<128x128xf32, #tpu.memory_space<hbm>>)
      %add3A_350 = arith.constant 5 : i32
      %add3A_351 = arith.addi %mul3A_208, %add3A_350 : i32
      %add3A_352 = arith.constant 1 : i32
      %add3A_353 = arith.addi %add3A_351, %add3A_352 : i32
      %dma_start3A_354 = arith.constant 1 : i32
      %dma_start3A_355 = arith.constant 0 : i32
      %dma_start3A_356 = tpu.memref_slice %arg5[%add3A_353, %dma_start3A_355] : memref<200x128xi32, #tpu.memory_space<vmem>> -> memref<1x128xi32, #tpu.memory_space<vmem>>
      %dma_start3A_357 = tpu.memref_squeeze %dma_start3A_356 : memref<1x128xi32, #tpu.memory_space<vmem>> -> memref<128xi32, #tpu.memory_space<vmem>>
      %dma_start3A_358 = arith.constant 0 : i32
      %dma_start3A_359 = arith.constant 0 : i32
      %dma_start3A_360 = tpu.memref_slice %arg2[%dma_start3A_358, %dma_start3A_359] : memref<1000002x128xf32, #tpu.memory_space<hbm>> -> memref<1000002x128xf32, #tpu.memory_space<hbm>>
      %dma_start3A_361 = tpu.memref_slice %arg11[%dma_start3A_354] : memref<5x!tpu.dma_semaphore, #tpu.memory_space<semaphore_mem>> -> memref<1x!tpu.dma_semaphore, #tpu.memory_space<semaphore_mem>>
      %dma_start3A_362 = tpu.memref_squeeze %dma_start3A_361 : memref<1x!tpu.dma_semaphore, #tpu.memory_space<semaphore_mem>> -> memref<!tpu.dma_semaphore, #tpu.memory_space<semaphore_mem>>
      tpu.enqueue_indirect_dma source(%dma_start3A_360 : memref<1000002x128xf32, #tpu.memory_space<hbm>>) target(%arg7 : memref<128x128xf32, #tpu.memory_space<vmem>>) offsets(%dma_start3A_357 : memref<128xi32, #tpu.memory_space<vmem>>) semaphore(%dma_start3A_362 : memref<!tpu.dma_semaphore, #tpu.memory_space<semaphore_mem>>)
      %dma_wait3A_363 = arith.constant 2 : i32
      %dma_wait3A_364 = arith.constant 0 : i32
      %dma_wait3A_365 = arith.constant 0 : i32
      %dma_wait3A_366 = tpu.memref_slice %arg4[%dma_wait3A_364, %dma_wait3A_365] : memref<819200x128xf32, #tpu.memory_space<hbm>> -> memref<128x128xf32, #tpu.memory_space<hbm>>
      %dma_wait3A_367 = tpu.memref_slice %arg12[%dma_wait3A_363] : memref<5x!tpu.dma_semaphore, #tpu.memory_space<semaphore_mem>> -> memref<1x!tpu.dma_semaphore, #tpu.memory_space<semaphore_mem>>
      %dma_wait3A_368 = tpu.memref_squeeze %dma_wait3A_367 : memref<1x!tpu.dma_semaphore, #tpu.memory_space<semaphore_mem>> -> memref<!tpu.dma_semaphore, #tpu.memory_space<semaphore_mem>>
      %dma_wait3A_369 = arith.constant 0 : i32
      %dma_wait3A_370 = arith.constant 0 : i32
      %dma_wait3A_371 = tpu.memref_slice %arg4[%dma_wait3A_369, %dma_wait3A_370] : memref<819200x128xf32, #tpu.memory_space<hbm>> -> memref<128x128xf32, #tpu.memory_space<hbm>>
      tpu.wait_dma2 semaphore(%dma_wait3A_368 : memref<!tpu.dma_semaphore, #tpu.memory_space<semaphore_mem>>) src(%arg8 : memref<128x128xf32, #tpu.memory_space<vmem>>) dst(%dma_wait3A_371 : memref<128x128xf32, #tpu.memory_space<hbm>>)
      %add3A_372 = arith.constant 5 : i32
      %add3A_373 = arith.addi %mul3A_208, %add3A_372 : i32
      %add3A_374 = arith.constant 2 : i32
      %add3A_375 = arith.addi %add3A_373, %add3A_374 : i32
      %dma_start3A_376 = arith.constant 2 : i32
      %dma_start3A_377 = arith.constant 0 : i32
      %dma_start3A_378 = tpu.memref_slice %arg5[%add3A_375, %dma_start3A_377] : memref<200x128xi32, #tpu.memory_space<vmem>> -> memref<1x128xi32, #tpu.memory_space<vmem>>
      %dma_start3A_379 = tpu.memref_squeeze %dma_start3A_378 : memref<1x128xi32, #tpu.memory_space<vmem>> -> memref<128xi32, #tpu.memory_space<vmem>>
      %dma_start3A_380 = arith.constant 0 : i32
      %dma_start3A_381 = arith.constant 0 : i32
      %dma_start3A_382 = tpu.memref_slice %arg2[%dma_start3A_380, %dma_start3A_381] : memref<1000002x128xf32, #tpu.memory_space<hbm>> -> memref<1000002x128xf32, #tpu.memory_space<hbm>>
      %dma_start3A_383 = tpu.memref_slice %arg11[%dma_start3A_376] : memref<5x!tpu.dma_semaphore, #tpu.memory_space<semaphore_mem>> -> memref<1x!tpu.dma_semaphore, #tpu.memory_space<semaphore_mem>>
      %dma_start3A_384 = tpu.memref_squeeze %dma_start3A_383 : memref<1x!tpu.dma_semaphore, #tpu.memory_space<semaphore_mem>> -> memref<!tpu.dma_semaphore, #tpu.memory_space<semaphore_mem>>
      tpu.enqueue_indirect_dma source(%dma_start3A_382 : memref<1000002x128xf32, #tpu.memory_space<hbm>>) target(%arg8 : memref<128x128xf32, #tpu.memory_space<vmem>>) offsets(%dma_start3A_379 : memref<128xi32, #tpu.memory_space<vmem>>) semaphore(%dma_start3A_384 : memref<!tpu.dma_semaphore, #tpu.memory_space<semaphore_mem>>)
      %dma_wait3A_385 = arith.constant 3 : i32
      %dma_wait3A_386 = arith.constant 0 : i32
      %dma_wait3A_387 = arith.constant 0 : i32
      %dma_wait3A_388 = tpu.memref_slice %arg4[%dma_wait3A_386, %dma_wait3A_387] : memref<819200x128xf32, #tpu.memory_space<hbm>> -> memref<128x128xf32, #tpu.memory_space<hbm>>
      %dma_wait3A_389 = tpu.memref_slice %arg12[%dma_wait3A_385] : memref<5x!tpu.dma_semaphore, #tpu.memory_space<semaphore_mem>> -> memref<1x!tpu.dma_semaphore, #tpu.memory_space<semaphore_mem>>
      %dma_wait3A_390 = tpu.memref_squeeze %dma_wait3A_389 : memref<1x!tpu.dma_semaphore, #tpu.memory_space<semaphore_mem>> -> memref<!tpu.dma_semaphore, #tpu.memory_space<semaphore_mem>>
      %dma_wait3A_391 = arith.constant 0 : i32
      %dma_wait3A_392 = arith.constant 0 : i32
      %dma_wait3A_393 = tpu.memref_slice %arg4[%dma_wait3A_391, %dma_wait3A_392] : memref<819200x128xf32, #tpu.memory_space<hbm>> -> memref<128x128xf32, #tpu.memory_space<hbm>>
      tpu.wait_dma2 semaphore(%dma_wait3A_390 : memref<!tpu.dma_semaphore, #tpu.memory_space<semaphore_mem>>) src(%arg9 : memref<128x128xf32, #tpu.memory_space<vmem>>) dst(%dma_wait3A_393 : memref<128x128xf32, #tpu.memory_space<hbm>>)
      %add3A_394 = arith.constant 5 : i32
      %add3A_395 = arith.addi %mul3A_208, %add3A_394 : i32
      %add3A_396 = arith.constant 3 : i32
      %add3A_397 = arith.addi %add3A_395, %add3A_396 : i32
      %dma_start3A_398 = arith.constant 3 : i32
      %dma_start3A_399 = arith.constant 0 : i32
      %dma_start3A_400 = tpu.memref_slice %arg5[%add3A_397, %dma_start3A_399] : memref<200x128xi32, #tpu.memory_space<vmem>> -> memref<1x128xi32, #tpu.memory_space<vmem>>
      %dma_start3A_401 = tpu.memref_squeeze %dma_start3A_400 : memref<1x128xi32, #tpu.memory_space<vmem>> -> memref<128xi32, #tpu.memory_space<vmem>>
      %dma_start3A_402 = arith.constant 0 : i32
      %dma_start3A_403 = arith.constant 0 : i32
      %dma_start3A_404 = tpu.memref_slice %arg2[%dma_start3A_402, %dma_start3A_403] : memref<1000002x128xf32, #tpu.memory_space<hbm>> -> memref<1000002x128xf32, #tpu.memory_space<hbm>>
      %dma_start3A_405 = tpu.memref_slice %arg11[%dma_start3A_398] : memref<5x!tpu.dma_semaphore, #tpu.memory_space<semaphore_mem>> -> memref<1x!tpu.dma_semaphore, #tpu.memory_space<semaphore_mem>>
      %dma_start3A_406 = tpu.memref_squeeze %dma_start3A_405 : memref<1x!tpu.dma_semaphore, #tpu.memory_space<semaphore_mem>> -> memref<!tpu.dma_semaphore, #tpu.memory_space<semaphore_mem>>
      tpu.enqueue_indirect_dma source(%dma_start3A_404 : memref<1000002x128xf32, #tpu.memory_space<hbm>>) target(%arg9 : memref<128x128xf32, #tpu.memory_space<vmem>>) offsets(%dma_start3A_401 : memref<128xi32, #tpu.memory_space<vmem>>) semaphore(%dma_start3A_406 : memref<!tpu.dma_semaphore, #tpu.memory_space<semaphore_mem>>)
      %dma_wait3A_407 = arith.constant 4 : i32
      %dma_wait3A_408 = arith.constant 0 : i32
      %dma_wait3A_409 = arith.constant 0 : i32
      %dma_wait3A_410 = tpu.memref_slice %arg4[%dma_wait3A_408, %dma_wait3A_409] : memref<819200x128xf32, #tpu.memory_space<hbm>> -> memref<128x128xf32, #tpu.memory_space<hbm>>
      %dma_wait3A_411 = tpu.memref_slice %arg12[%dma_wait3A_407] : memref<5x!tpu.dma_semaphore, #tpu.memory_space<semaphore_mem>> -> memref<1x!tpu.dma_semaphore, #tpu.memory_space<semaphore_mem>>
      %dma_wait3A_412 = tpu.memref_squeeze %dma_wait3A_411 : memref<1x!tpu.dma_semaphore, #tpu.memory_space<semaphore_mem>> -> memref<!tpu.dma_semaphore, #tpu.memory_space<semaphore_mem>>
      %dma_wait3A_413 = arith.constant 0 : i32
      %dma_wait3A_414 = arith.constant 0 : i32
      %dma_wait3A_415 = tpu.memref_slice %arg4[%dma_wait3A_413, %dma_wait3A_414] : memref<819200x128xf32, #tpu.memory_space<hbm>> -> memref<128x128xf32, #tpu.memory_space<hbm>>
      tpu.wait_dma2 semaphore(%dma_wait3A_412 : memref<!tpu.dma_semaphore, #tpu.memory_space<semaphore_mem>>) src(%arg10 : memref<128x128xf32, #tpu.memory_space<vmem>>) dst(%dma_wait3A_415 : memref<128x128xf32, #tpu.memory_space<hbm>>)
      %add3A_416 = arith.constant 5 : i32
      %add3A_417 = arith.addi %mul3A_208, %add3A_416 : i32
      %add3A_418 = arith.constant 4 : i32
      %add3A_419 = arith.addi %add3A_417, %add3A_418 : i32
      %dma_start3A_420 = arith.constant 4 : i32
      %dma_start3A_421 = arith.constant 0 : i32
      %dma_start3A_422 = tpu.memref_slice %arg5[%add3A_419, %dma_start3A_421] : memref<200x128xi32, #tpu.memory_space<vmem>> -> memref<1x128xi32, #tpu.memory_space<vmem>>
      %dma_start3A_423 = tpu.memref_squeeze %dma_start3A_422 : memref<1x128xi32, #tpu.memory_space<vmem>> -> memref<128xi32, #tpu.memory_space<vmem>>
      %dma_start3A_424 = arith.constant 0 : i32
      %dma_start3A_425 = arith.constant 0 : i32
      %dma_start3A_426 = tpu.memref_slice %arg2[%dma_start3A_424, %dma_start3A_425] : memref<1000002x128xf32, #tpu.memory_space<hbm>> -> memref<1000002x128xf32, #tpu.memory_space<hbm>>
      %dma_start3A_427 = tpu.memref_slice %arg11[%dma_start3A_420] : memref<5x!tpu.dma_semaphore, #tpu.memory_space<semaphore_mem>> -> memref<1x!tpu.dma_semaphore, #tpu.memory_space<semaphore_mem>>
      %dma_start3A_428 = tpu.memref_squeeze %dma_start3A_427 : memref<1x!tpu.dma_semaphore, #tpu.memory_space<semaphore_mem>> -> memref<!tpu.dma_semaphore, #tpu.memory_space<semaphore_mem>>
      tpu.enqueue_indirect_dma source(%dma_start3A_426 : memref<1000002x128xf32, #tpu.memory_space<hbm>>) target(%arg10 : memref<128x128xf32, #tpu.memory_space<vmem>>) offsets(%dma_start3A_423 : memref<128xi32, #tpu.memory_space<vmem>>) semaphore(%dma_start3A_428 : memref<!tpu.dma_semaphore, #tpu.memory_space<semaphore_mem>>)
    }
    %scan3A_56 = arith.constant 39 : i32
    %dma_wait3A = arith.constant 0 : i32
    %dma_wait3A_57 = arith.constant 0 : i32
    %dma_wait3A_58 = arith.constant 0 : i32
    %dma_wait3A_59 = tpu.memref_slice %arg5[%dma_wait3A, %dma_wait3A_58] : memref<200x128xi32, #tpu.memory_space<vmem>> -> memref<1x128xi32, #tpu.memory_space<vmem>>
    %dma_wait3A_60 = tpu.memref_squeeze %dma_wait3A_59 : memref<1x128xi32, #tpu.memory_space<vmem>> -> memref<128xi32, #tpu.memory_space<vmem>>
    %dma_wait3A_61 = arith.constant 0 : i32
    %dma_wait3A_62 = arith.constant 0 : i32
    %dma_wait3A_63 = tpu.memref_slice %arg2[%dma_wait3A_61, %dma_wait3A_62] : memref<1000002x128xf32, #tpu.memory_space<hbm>> -> memref<1000002x128xf32, #tpu.memory_space<hbm>>
    %dma_wait3A_64 = tpu.memref_slice %arg11[%dma_wait3A_57] : memref<5x!tpu.dma_semaphore, #tpu.memory_space<semaphore_mem>> -> memref<1x!tpu.dma_semaphore, #tpu.memory_space<semaphore_mem>>
    %dma_wait3A_65 = tpu.memref_squeeze %dma_wait3A_64 : memref<1x!tpu.dma_semaphore, #tpu.memory_space<semaphore_mem>> -> memref<!tpu.dma_semaphore, #tpu.memory_space<semaphore_mem>>
    tpu.wait_indirect_dma semaphore(%dma_wait3A_65 : memref<!tpu.dma_semaphore, #tpu.memory_space<semaphore_mem>>) src(%dma_wait3A_63 : memref<1000002x128xf32, #tpu.memory_space<hbm>>) dst(%arg6 : memref<128x128xf32, #tpu.memory_space<vmem>>)
    %add3A_66 = arith.constant 195 : i32
    %add3A_67 = arith.addi %mul3A_2, %add3A_66 : i32
    %mul3A_68 = arith.constant 128 : i32
    %mul3A_69 = arith.muli %add3A_67, %mul3A_68 : i32
    %dma_start3A_70 = arith.constant 0 : i32
    %dma_start3A_71 = arith.constant 0 : i32
    %dma_start3A_72 = tpu.memref_slice %arg4[%mul3A_69, %dma_start3A_71] : memref<819200x128xf32, #tpu.memory_space<hbm>> -> memref<128x128xf32, #tpu.memory_space<hbm>>
    %dma_start3A_73 = tpu.memref_slice %arg12[%dma_start3A_70] : memref<5x!tpu.dma_semaphore, #tpu.memory_space<semaphore_mem>> -> memref<1x!tpu.dma_semaphore, #tpu.memory_space<semaphore_mem>>
    %dma_start3A_74 = tpu.memref_squeeze %dma_start3A_73 : memref<1x!tpu.dma_semaphore, #tpu.memory_space<semaphore_mem>> -> memref<!tpu.dma_semaphore, #tpu.memory_space<semaphore_mem>>
    %dma_start3A_75 = arith.constant 0 : i32
    %dma_start3A_76 = tpu.memref_slice %arg4[%mul3A_69, %dma_start3A_75] : memref<819200x128xf32, #tpu.memory_space<hbm>> -> memref<128x128xf32, #tpu.memory_space<hbm>>
    tpu.enqueue_dma source(%arg6 : memref<128x128xf32, #tpu.memory_space<vmem>>) target(%dma_start3A_76 : memref<128x128xf32, #tpu.memory_space<hbm>>) target_semaphore(%dma_start3A_74 : memref<!tpu.dma_semaphore, #tpu.memory_space<semaphore_mem>>)
    %dma_wait3A_77 = arith.constant 0 : i32
    %dma_wait3A_78 = arith.constant 1 : i32
    %dma_wait3A_79 = arith.constant 0 : i32
    %dma_wait3A_80 = tpu.memref_slice %arg5[%dma_wait3A_77, %dma_wait3A_79] : memref<200x128xi32, #tpu.memory_space<vmem>> -> memref<1x128xi32, #tpu.memory_space<vmem>>
    %dma_wait3A_81 = tpu.memref_squeeze %dma_wait3A_80 : memref<1x128xi32, #tpu.memory_space<vmem>> -> memref<128xi32, #tpu.memory_space<vmem>>
    %dma_wait3A_82 = arith.constant 0 : i32
    %dma_wait3A_83 = arith.constant 0 : i32
    %dma_wait3A_84 = tpu.memref_slice %arg2[%dma_wait3A_82, %dma_wait3A_83] : memref<1000002x128xf32, #tpu.memory_space<hbm>> -> memref<1000002x128xf32, #tpu.memory_space<hbm>>
    %dma_wait3A_85 = tpu.memref_slice %arg11[%dma_wait3A_78] : memref<5x!tpu.dma_semaphore, #tpu.memory_space<semaphore_mem>> -> memref<1x!tpu.dma_semaphore, #tpu.memory_space<semaphore_mem>>
    %dma_wait3A_86 = tpu.memref_squeeze %dma_wait3A_85 : memref<1x!tpu.dma_semaphore, #tpu.memory_space<semaphore_mem>> -> memref<!tpu.dma_semaphore, #tpu.memory_space<semaphore_mem>>
    tpu.wait_indirect_dma semaphore(%dma_wait3A_86 : memref<!tpu.dma_semaphore, #tpu.memory_space<semaphore_mem>>) src(%dma_wait3A_84 : memref<1000002x128xf32, #tpu.memory_space<hbm>>) dst(%arg7 : memref<128x128xf32, #tpu.memory_space<vmem>>)
    %add3A_87 = arith.constant 196 : i32
    %add3A_88 = arith.addi %mul3A_2, %add3A_87 : i32
    %mul3A_89 = arith.constant 128 : i32
    %mul3A_90 = arith.muli %add3A_88, %mul3A_89 : i32
    %dma_start3A_91 = arith.constant 1 : i32
    %dma_start3A_92 = arith.constant 0 : i32
    %dma_start3A_93 = tpu.memref_slice %arg4[%mul3A_90, %dma_start3A_92] : memref<819200x128xf32, #tpu.memory_space<hbm>> -> memref<128x128xf32, #tpu.memory_space<hbm>>
    %dma_start3A_94 = tpu.memref_slice %arg12[%dma_start3A_91] : memref<5x!tpu.dma_semaphore, #tpu.memory_space<semaphore_mem>> -> memref<1x!tpu.dma_semaphore, #tpu.memory_space<semaphore_mem>>
    %dma_start3A_95 = tpu.memref_squeeze %dma_start3A_94 : memref<1x!tpu.dma_semaphore, #tpu.memory_space<semaphore_mem>> -> memref<!tpu.dma_semaphore, #tpu.memory_space<semaphore_mem>>
    %dma_start3A_96 = arith.constant 0 : i32
    %dma_start3A_97 = tpu.memref_slice %arg4[%mul3A_90, %dma_start3A_96] : memref<819200x128xf32, #tpu.memory_space<hbm>> -> memref<128x128xf32, #tpu.memory_space<hbm>>
    tpu.enqueue_dma source(%arg7 : memref<128x128xf32, #tpu.memory_space<vmem>>) target(%dma_start3A_97 : memref<128x128xf32, #tpu.memory_space<hbm>>) target_semaphore(%dma_start3A_95 : memref<!tpu.dma_semaphore, #tpu.memory_space<semaphore_mem>>)
    %dma_wait3A_98 = arith.constant 0 : i32
    %dma_wait3A_99 = arith.constant 2 : i32
    %dma_wait3A_100 = arith.constant 0 : i32
    %dma_wait3A_101 = tpu.memref_slice %arg5[%dma_wait3A_98, %dma_wait3A_100] : memref<200x128xi32, #tpu.memory_space<vmem>> -> memref<1x128xi32, #tpu.memory_space<vmem>>
    %dma_wait3A_102 = tpu.memref_squeeze %dma_wait3A_101 : memref<1x128xi32, #tpu.memory_space<vmem>> -> memref<128xi32, #tpu.memory_space<vmem>>
    %dma_wait3A_103 = arith.constant 0 : i32
    %dma_wait3A_104 = arith.constant 0 : i32
    %dma_wait3A_105 = tpu.memref_slice %arg2[%dma_wait3A_103, %dma_wait3A_104] : memref<1000002x128xf32, #tpu.memory_space<hbm>> -> memref<1000002x128xf32, #tpu.memory_space<hbm>>
    %dma_wait3A_106 = tpu.memref_slice %arg11[%dma_wait3A_99] : memref<5x!tpu.dma_semaphore, #tpu.memory_space<semaphore_mem>> -> memref<1x!tpu.dma_semaphore, #tpu.memory_space<semaphore_mem>>
    %dma_wait3A_107 = tpu.memref_squeeze %dma_wait3A_106 : memref<1x!tpu.dma_semaphore, #tpu.memory_space<semaphore_mem>> -> memref<!tpu.dma_semaphore, #tpu.memory_space<semaphore_mem>>
    tpu.wait_indirect_dma semaphore(%dma_wait3A_107 : memref<!tpu.dma_semaphore, #tpu.memory_space<semaphore_mem>>) src(%dma_wait3A_105 : memref<1000002x128xf32, #tpu.memory_space<hbm>>) dst(%arg8 : memref<128x128xf32, #tpu.memory_space<vmem>>)
    %add3A_108 = arith.constant 197 : i32
    %add3A_109 = arith.addi %mul3A_2, %add3A_108 : i32
    %mul3A_110 = arith.constant 128 : i32
    %mul3A_111 = arith.muli %add3A_109, %mul3A_110 : i32
    %dma_start3A_112 = arith.constant 2 : i32
    %dma_start3A_113 = arith.constant 0 : i32
    %dma_start3A_114 = tpu.memref_slice %arg4[%mul3A_111, %dma_start3A_113] : memref<819200x128xf32, #tpu.memory_space<hbm>> -> memref<128x128xf32, #tpu.memory_space<hbm>>
    %dma_start3A_115 = tpu.memref_slice %arg12[%dma_start3A_112] : memref<5x!tpu.dma_semaphore, #tpu.memory_space<semaphore_mem>> -> memref<1x!tpu.dma_semaphore, #tpu.memory_space<semaphore_mem>>
    %dma_start3A_116 = tpu.memref_squeeze %dma_start3A_115 : memref<1x!tpu.dma_semaphore, #tpu.memory_space<semaphore_mem>> -> memref<!tpu.dma_semaphore, #tpu.memory_space<semaphore_mem>>
    %dma_start3A_117 = arith.constant 0 : i32
    %dma_start3A_118 = tpu.memref_slice %arg4[%mul3A_111, %dma_start3A_117] : memref<819200x128xf32, #tpu.memory_space<hbm>> -> memref<128x128xf32, #tpu.memory_space<hbm>>
    tpu.enqueue_dma source(%arg8 : memref<128x128xf32, #tpu.memory_space<vmem>>) target(%dma_start3A_118 : memref<128x128xf32, #tpu.memory_space<hbm>>) target_semaphore(%dma_start3A_116 : memref<!tpu.dma_semaphore, #tpu.memory_space<semaphore_mem>>)
    %dma_wait3A_119 = arith.constant 0 : i32
    %dma_wait3A_120 = arith.constant 3 : i32
    %dma_wait3A_121 = arith.constant 0 : i32
    %dma_wait3A_122 = tpu.memref_slice %arg5[%dma_wait3A_119, %dma_wait3A_121] : memref<200x128xi32, #tpu.memory_space<vmem>> -> memref<1x128xi32, #tpu.memory_space<vmem>>
    %dma_wait3A_123 = tpu.memref_squeeze %dma_wait3A_122 : memref<1x128xi32, #tpu.memory_space<vmem>> -> memref<128xi32, #tpu.memory_space<vmem>>
    %dma_wait3A_124 = arith.constant 0 : i32
    %dma_wait3A_125 = arith.constant 0 : i32
    %dma_wait3A_126 = tpu.memref_slice %arg2[%dma_wait3A_124, %dma_wait3A_125] : memref<1000002x128xf32, #tpu.memory_space<hbm>> -> memref<1000002x128xf32, #tpu.memory_space<hbm>>
    %dma_wait3A_127 = tpu.memref_slice %arg11[%dma_wait3A_120] : memref<5x!tpu.dma_semaphore, #tpu.memory_space<semaphore_mem>> -> memref<1x!tpu.dma_semaphore, #tpu.memory_space<semaphore_mem>>
    %dma_wait3A_128 = tpu.memref_squeeze %dma_wait3A_127 : memref<1x!tpu.dma_semaphore, #tpu.memory_space<semaphore_mem>> -> memref<!tpu.dma_semaphore, #tpu.memory_space<semaphore_mem>>
    tpu.wait_indirect_dma semaphore(%dma_wait3A_128 : memref<!tpu.dma_semaphore, #tpu.memory_space<semaphore_mem>>) src(%dma_wait3A_126 : memref<1000002x128xf32, #tpu.memory_space<hbm>>) dst(%arg9 : memref<128x128xf32, #tpu.memory_space<vmem>>)
    %add3A_129 = arith.constant 198 : i32
    %add3A_130 = arith.addi %mul3A_2, %add3A_129 : i32
    %mul3A_131 = arith.constant 128 : i32
    %mul3A_132 = arith.muli %add3A_130, %mul3A_131 : i32
    %dma_start3A_133 = arith.constant 3 : i32
    %dma_start3A_134 = arith.constant 0 : i32
    %dma_start3A_135 = tpu.memref_slice %arg4[%mul3A_132, %dma_start3A_134] : memref<819200x128xf32, #tpu.memory_space<hbm>> -> memref<128x128xf32, #tpu.memory_space<hbm>>
    %dma_start3A_136 = tpu.memref_slice %arg12[%dma_start3A_133] : memref<5x!tpu.dma_semaphore, #tpu.memory_space<semaphore_mem>> -> memref<1x!tpu.dma_semaphore, #tpu.memory_space<semaphore_mem>>
    %dma_start3A_137 = tpu.memref_squeeze %dma_start3A_136 : memref<1x!tpu.dma_semaphore, #tpu.memory_space<semaphore_mem>> -> memref<!tpu.dma_semaphore, #tpu.memory_space<semaphore_mem>>
    %dma_start3A_138 = arith.constant 0 : i32
    %dma_start3A_139 = tpu.memref_slice %arg4[%mul3A_132, %dma_start3A_138] : memref<819200x128xf32, #tpu.memory_space<hbm>> -> memref<128x128xf32, #tpu.memory_space<hbm>>
    tpu.enqueue_dma source(%arg9 : memref<128x128xf32, #tpu.memory_space<vmem>>) target(%dma_start3A_139 : memref<128x128xf32, #tpu.memory_space<hbm>>) target_semaphore(%dma_start3A_137 : memref<!tpu.dma_semaphore, #tpu.memory_space<semaphore_mem>>)
    %dma_wait3A_140 = arith.constant 0 : i32
    %dma_wait3A_141 = arith.constant 4 : i32
    %dma_wait3A_142 = arith.constant 0 : i32
    %dma_wait3A_143 = tpu.memref_slice %arg5[%dma_wait3A_140, %dma_wait3A_142] : memref<200x128xi32, #tpu.memory_space<vmem>> -> memref<1x128xi32, #tpu.memory_space<vmem>>
    %dma_wait3A_144 = tpu.memref_squeeze %dma_wait3A_143 : memref<1x128xi32, #tpu.memory_space<vmem>> -> memref<128xi32, #tpu.memory_space<vmem>>
    %dma_wait3A_145 = arith.constant 0 : i32
    %dma_wait3A_146 = arith.constant 0 : i32
    %dma_wait3A_147 = tpu.memref_slice %arg2[%dma_wait3A_145, %dma_wait3A_146] : memref<1000002x128xf32, #tpu.memory_space<hbm>> -> memref<1000002x128xf32, #tpu.memory_space<hbm>>
    %dma_wait3A_148 = tpu.memref_slice %arg11[%dma_wait3A_141] : memref<5x!tpu.dma_semaphore, #tpu.memory_space<semaphore_mem>> -> memref<1x!tpu.dma_semaphore, #tpu.memory_space<semaphore_mem>>
    %dma_wait3A_149 = tpu.memref_squeeze %dma_wait3A_148 : memref<1x!tpu.dma_semaphore, #tpu.memory_space<semaphore_mem>> -> memref<!tpu.dma_semaphore, #tpu.memory_space<semaphore_mem>>
    tpu.wait_indirect_dma semaphore(%dma_wait3A_149 : memref<!tpu.dma_semaphore, #tpu.memory_space<semaphore_mem>>) src(%dma_wait3A_147 : memref<1000002x128xf32, #tpu.memory_space<hbm>>) dst(%arg10 : memref<128x128xf32, #tpu.memory_space<vmem>>)
    %add3A_150 = arith.constant 199 : i32
    %add3A_151 = arith.addi %mul3A_2, %add3A_150 : i32
    %mul3A_152 = arith.constant 128 : i32
    %mul3A_153 = arith.muli %add3A_151, %mul3A_152 : i32
    %dma_start3A_154 = arith.constant 4 : i32
    %dma_start3A_155 = arith.constant 0 : i32
    %dma_start3A_156 = tpu.memref_slice %arg4[%mul3A_153, %dma_start3A_155] : memref<819200x128xf32, #tpu.memory_space<hbm>> -> memref<128x128xf32, #tpu.memory_space<hbm>>
    %dma_start3A_157 = tpu.memref_slice %arg12[%dma_start3A_154] : memref<5x!tpu.dma_semaphore, #tpu.memory_space<semaphore_mem>> -> memref<1x!tpu.dma_semaphore, #tpu.memory_space<semaphore_mem>>
    %dma_start3A_158 = tpu.memref_squeeze %dma_start3A_157 : memref<1x!tpu.dma_semaphore, #tpu.memory_space<semaphore_mem>> -> memref<!tpu.dma_semaphore, #tpu.memory_space<semaphore_mem>>
    %dma_start3A_159 = arith.constant 0 : i32
    %dma_start3A_160 = tpu.memref_slice %arg4[%mul3A_153, %dma_start3A_159] : memref<819200x128xf32, #tpu.memory_space<hbm>> -> memref<128x128xf32, #tpu.memory_space<hbm>>
    tpu.enqueue_dma source(%arg10 : memref<128x128xf32, #tpu.memory_space<vmem>>) target(%dma_start3A_160 : memref<128x128xf32, #tpu.memory_space<hbm>>) target_semaphore(%dma_start3A_158 : memref<!tpu.dma_semaphore, #tpu.memory_space<semaphore_mem>>)
    %dma_wait3A_161 = arith.constant 0 : i32
    %dma_wait3A_162 = arith.constant 0 : i32
    %dma_wait3A_163 = arith.constant 0 : i32
    %dma_wait3A_164 = tpu.memref_slice %arg4[%dma_wait3A_162, %dma_wait3A_163] : memref<819200x128xf32, #tpu.memory_space<hbm>> -> memref<128x128xf32, #tpu.memory_space<hbm>>
    %dma_wait3A_165 = tpu.memref_slice %arg12[%dma_wait3A_161] : memref<5x!tpu.dma_semaphore, #tpu.memory_space<semaphore_mem>> -> memref<1x!tpu.dma_semaphore, #tpu.memory_space<semaphore_mem>>
    %dma_wait3A_166 = tpu.memref_squeeze %dma_wait3A_165 : memref<1x!tpu.dma_semaphore, #tpu.memory_space<semaphore_mem>> -> memref<!tpu.dma_semaphore, #tpu.memory_space<semaphore_mem>>
    %dma_wait3A_167 = arith.constant 0 : i32
    %dma_wait3A_168 = arith.constant 0 : i32
    %dma_wait3A_169 = tpu.memref_slice %arg4[%dma_wait3A_167, %dma_wait3A_168] : memref<819200x128xf32, #tpu.memory_space<hbm>> -> memref<128x128xf32, #tpu.memory_space<hbm>>
    tpu.wait_dma2 semaphore(%dma_wait3A_166 : memref<!tpu.dma_semaphore, #tpu.memory_space<semaphore_mem>>) src(%arg6 : memref<128x128xf32, #tpu.memory_space<vmem>>) dst(%dma_wait3A_169 : memref<128x128xf32, #tpu.memory_space<hbm>>)
    %dma_wait3A_170 = arith.constant 1 : i32
    %dma_wait3A_171 = arith.constant 0 : i32
    %dma_wait3A_172 = arith.constant 0 : i32
    %dma_wait3A_173 = tpu.memref_slice %arg4[%dma_wait3A_171, %dma_wait3A_172] : memref<819200x128xf32, #tpu.memory_space<hbm>> -> memref<128x128xf32, #tpu.memory_space<hbm>>
    %dma_wait3A_174 = tpu.memref_slice %arg12[%dma_wait3A_170] : memref<5x!tpu.dma_semaphore, #tpu.memory_space<semaphore_mem>> -> memref<1x!tpu.dma_semaphore, #tpu.memory_space<semaphore_mem>>
    %dma_wait3A_175 = tpu.memref_squeeze %dma_wait3A_174 : memref<1x!tpu.dma_semaphore, #tpu.memory_space<semaphore_mem>> -> memref<!tpu.dma_semaphore, #tpu.memory_space<semaphore_mem>>
    %dma_wait3A_176 = arith.constant 0 : i32
    %dma_wait3A_177 = arith.constant 0 : i32
    %dma_wait3A_178 = tpu.memref_slice %arg4[%dma_wait3A_176, %dma_wait3A_177] : memref<819200x128xf32, #tpu.memory_space<hbm>> -> memref<128x128xf32, #tpu.memory_space<hbm>>
    tpu.wait_dma2 semaphore(%dma_wait3A_175 : memref<!tpu.dma_semaphore, #tpu.memory_space<semaphore_mem>>) src(%arg7 : memref<128x128xf32, #tpu.memory_space<vmem>>) dst(%dma_wait3A_178 : memref<128x128xf32, #tpu.memory_space<hbm>>)
    %dma_wait3A_179 = arith.constant 2 : i32
    %dma_wait3A_180 = arith.constant 0 : i32
    %dma_wait3A_181 = arith.constant 0 : i32
    %dma_wait3A_182 = tpu.memref_slice %arg4[%dma_wait3A_180, %dma_wait3A_181] : memref<819200x128xf32, #tpu.memory_space<hbm>> -> memref<128x128xf32, #tpu.memory_space<hbm>>
    %dma_wait3A_183 = tpu.memref_slice %arg12[%dma_wait3A_179] : memref<5x!tpu.dma_semaphore, #tpu.memory_space<semaphore_mem>> -> memref<1x!tpu.dma_semaphore, #tpu.memory_space<semaphore_mem>>
    %dma_wait3A_184 = tpu.memref_squeeze %dma_wait3A_183 : memref<1x!tpu.dma_semaphore, #tpu.memory_space<semaphore_mem>> -> memref<!tpu.dma_semaphore, #tpu.memory_space<semaphore_mem>>
    %dma_wait3A_185 = arith.constant 0 : i32
    %dma_wait3A_186 = arith.constant 0 : i32
    %dma_wait3A_187 = tpu.memref_slice %arg4[%dma_wait3A_185, %dma_wait3A_186] : memref<819200x128xf32, #tpu.memory_space<hbm>> -> memref<128x128xf32, #tpu.memory_space<hbm>>
    tpu.wait_dma2 semaphore(%dma_wait3A_184 : memref<!tpu.dma_semaphore, #tpu.memory_space<semaphore_mem>>) src(%arg8 : memref<128x128xf32, #tpu.memory_space<vmem>>) dst(%dma_wait3A_187 : memref<128x128xf32, #tpu.memory_space<hbm>>)
    %dma_wait3A_188 = arith.constant 3 : i32
    %dma_wait3A_189 = arith.constant 0 : i32
    %dma_wait3A_190 = arith.constant 0 : i32
    %dma_wait3A_191 = tpu.memref_slice %arg4[%dma_wait3A_189, %dma_wait3A_190] : memref<819200x128xf32, #tpu.memory_space<hbm>> -> memref<128x128xf32, #tpu.memory_space<hbm>>
    %dma_wait3A_192 = tpu.memref_slice %arg12[%dma_wait3A_188] : memref<5x!tpu.dma_semaphore, #tpu.memory_space<semaphore_mem>> -> memref<1x!tpu.dma_semaphore, #tpu.memory_space<semaphore_mem>>
    %dma_wait3A_193 = tpu.memref_squeeze %dma_wait3A_192 : memref<1x!tpu.dma_semaphore, #tpu.memory_space<semaphore_mem>> -> memref<!tpu.dma_semaphore, #tpu.memory_space<semaphore_mem>>
    %dma_wait3A_194 = arith.constant 0 : i32
    %dma_wait3A_195 = arith.constant 0 : i32
    %dma_wait3A_196 = tpu.memref_slice %arg4[%dma_wait3A_194, %dma_wait3A_195] : memref<819200x128xf32, #tpu.memory_space<hbm>> -> memref<128x128xf32, #tpu.memory_space<hbm>>
    tpu.wait_dma2 semaphore(%dma_wait3A_193 : memref<!tpu.dma_semaphore, #tpu.memory_space<semaphore_mem>>) src(%arg9 : memref<128x128xf32, #tpu.memory_space<vmem>>) dst(%dma_wait3A_196 : memref<128x128xf32, #tpu.memory_space<hbm>>)
    %dma_wait3A_197 = arith.constant 4 : i32
    %dma_wait3A_198 = arith.constant 0 : i32
    %dma_wait3A_199 = arith.constant 0 : i32
    %dma_wait3A_200 = tpu.memref_slice %arg4[%dma_wait3A_198, %dma_wait3A_199] : memref<819200x128xf32, #tpu.memory_space<hbm>> -> memref<128x128xf32, #tpu.memory_space<hbm>>
    %dma_wait3A_201 = tpu.memref_slice %arg12[%dma_wait3A_197] : memref<5x!tpu.dma_semaphore, #tpu.memory_space<semaphore_mem>> -> memref<1x!tpu.dma_semaphore, #tpu.memory_space<semaphore_mem>>
    %dma_wait3A_202 = tpu.memref_squeeze %dma_wait3A_201 : memref<1x!tpu.dma_semaphore, #tpu.memory_space<semaphore_mem>> -> memref<!tpu.dma_semaphore, #tpu.memory_space<semaphore_mem>>
    %dma_wait3A_203 = arith.constant 0 : i32
    %dma_wait3A_204 = arith.constant 0 : i32
    %dma_wait3A_205 = tpu.memref_slice %arg4[%dma_wait3A_203, %dma_wait3A_204] : memref<819200x128xf32, #tpu.memory_space<hbm>> -> memref<128x128xf32, #tpu.memory_space<hbm>>
    tpu.wait_dma2 semaphore(%dma_wait3A_202 : memref<!tpu.dma_semaphore, #tpu.memory_space<semaphore_mem>>) src(%arg10 : memref<128x128xf32, #tpu.memory_space<vmem>>) dst(%dma_wait3A_205 : memref<128x128xf32, #tpu.memory_space<hbm>>)
    return
  }
}

</mosaic_0001>

<sc_bundles>
// kernel: kernel.3.cloned.1.call-start
scs
__scs_entry_jumppad:
0x0: {  	(pc) =	sbr.rel $0x88, $3  }
0x1: {  	(tag) =	ssettag $0x0;
	lr =	simm.s32 $0x1  }
0x2: {  	[smem:$0x3F9F] =	sst lr;
	_ =	strace $0xD0000000  }
0x3: {  	_ = 	snop  }
0x4: {  	_ = 	snop  }
0x5: {  	_ = 	snop  }
0x6: {  	_ = 	snop  }
0x7: {  	_ = 	snop  }
__scs_overlays_trampoline_lowered:
0x8: {  	[smem:$0x3FAE] =	sst s0  }
0x9: {  	[smem:$0x3FAF] =	sst s1  }
0xa: {  	[smem:$0x3FB0] =	sst s2  }
0xb: {  	[smem:$0x3FB1] =	sst s3  }
0xc: {  	[smem:$0x3FB2] =	sst s4  }
0xd: {  	[smem:$0x3FB3] =	sst s5  }
0xe: {  	[smem:$0x3FB4] =	sst s6  }
0xf: {  	[smem:$0x3FB5] =	sst s7  }
0x10: {  	[smem:$0x3FB6] =	sst s8  }
0x11: {  	[smem:$0x3FB7] =	sst s9;
	s0 =	simm.s32 @!p0 $0x0  }
0x12: {  	s1 =	sld [smem:$0x3F9D];
	s0 =	simm.s32 @p0 $0x1  }
0x13: {  	[smem:$0x3FB8] =	sst s0;
	s0 =	simm.s32 @!p1 $0x0  }
0x14: {  	s2 =	sld [smem:$0x3F9C];
	s0 =	simm.s32 @p1 $0x1  }
0x15: {  	[smem:$0x3FB9] =	sst s0;
	s0 =	simm.s32 @!p2 $0x0  }
0x16: {  	s3 =	sld [smem:$0x3FDB];
	s0 =	simm.s32 @p2 $0x1  }
0x17: {  	s4 =	simm.s32 $0x1BF5;
	[smem:$0x3FBB] =	sst s0  }
0x18: {  	s0 =	sld [smem:$0x3F9E];
	_ =	swait.ge [sflag:s4], $0x0  }
0x19: {  	s7 =	sld [smem:$0x3F9F]  }
0x1a: {  	s8 =	sadd.s32 $0xFFFFE003, lr  }
0x1b: {  	s9 =	sadd.s32 $0xFFFFFEF7, lr;
	s5 =	simm.s32 $0xFFFFFFFF;
	p2 =	slt.u32 s8, $0xFFFFF086  }
0x1c: {  	p1 =	slt.u32 s9, $0xF7A;
	s5 =	simm.s32 @!p2 $0x0  }
0x1d: {  	s5 =	simm.s32 @p1 $0x1;
	p0 =	seq.s32 s7, s2  }
0x1e: {  	s7 =	smul.u32 @!p0 $0xF7A, s2;
	p2 =	seq.s32 @!p0 s5, $0x0  }
0x1f: {  	s9 =	smul.u32 $0xF7A, s1;
	s8 =	simm.s32 @!p0 $0x1BF5;
	p2 =	por !p2, p0  }
0x20: {  	[sflag:s8] =	ssyncset.s32 @!p0 $0xFFFFF086;
	s6 =	sadd.s32 @!p0 s3, s7;
	s7 =	simm.s32 @!p0 $0x108  }
0x21: {  	s3 =	sadd.s32 s3, s9;
	s6 =	sadd.s32 @!p0 $0x88, s6;
	s7 =	simm.s32 @p2 $0x1082  }
0x22: {  	[simem:s7], [sflag:s8] =	dma.local @!p0 [hbm:s6], $0xF7A  }
0x23: {  	s9 =	sor.u32 $0xD0000000, s2;
	s6 =	simm.s32 $0x108;
	_ =	swait.ge @!p0 [sflag:s8], $0x0  }
0x24: {  	s3 =	sadd.s32 $0x88, s3;
	s6 =	simm.s32 @!p1 $0x1082;
	[sflag:s4] =	ssyncset.s32 $0xFFFFF086  }
0x25: {  	[simem:s6], [sflag:s4] =	dma.local [hbm:s3], $0xF7A  }
0x26: {  	[smem:$0x3F9F] =	sst s1;
	(tag) =	ssettag s2;
	_ =	strace s9  }
0x27: {  	s1 =	sld [smem:$0x3FAF]  }
0x28: {  	s2 =	sld [smem:$0x3FB0]  }
0x29: {  	s4 =	sld [smem:$0x3FB2]  }
0x2a: {  	p0 =	seq.s32 s5, $0x0;
	s5 =	sld [smem:$0x3FB3]  }
0x2b: {  	s6 =	sld [smem:$0x3FB4]  }
0x2c: {  	s7 =	sld [smem:$0x3FB5]  }
0x2d: {  	s3 =	simm.s32 $0x108;
	s8 =	sld [smem:$0x3FB6]  }
0x2e: {  	s3 =	simm.s32 @!p0 $0x1082;
	s9 =	sld [smem:$0x3FB7]  }
0x2f: {  	lr =	sadd.s32 s0, s3;
	s0 =	sld [smem:$0x3FAE]  }
0x30: {  	s3 =	sld [smem:$0x3FB1]  }
0x31: {  	[smem:$0x3FBA] =	sst s10  }
0x32: {  	s10 =	sld [smem:$0x3FB8];
	_ =	sdelay $0x3  }
0x33: {  	p0 =	seq.s32 s10, $0x1;
	s10 =	sld [smem:$0x3FBA];
	_ =	sdelay $0x3  }
0x34: {  	[smem:$0x3FBA] =	sst s10  }
0x35: {  	s10 =	sld [smem:$0x3FB9];
	_ =	sdelay $0x3  }
0x36: {  	p1 =	seq.s32 s10, $0x1;
	s10 =	sld [smem:$0x3FBA];
	_ =	sdelay $0x3  }
0x37: {  	[smem:$0x3FBA] =	sst s10  }
0x38: {  	s10 =	sld [smem:$0x3FBB]  }
0x39: {  	_ = 	snop;
	(pc) =	sbr.ind lr, $3  }
0x3a: {  	_ = 	snop  }
0x3b: {  	_ = 	snop  }
0x3c: {  	p2 =	seq.s32 s10, $0x1;
	s10 =	sld [smem:$0x3FBA]  }
0x3d: {  	_ =	shalt  }
0x3e: {  	_ =	shalt  }
0x3f: {  	_ =	shalt  }
0x40: {  	_ =	shalt  }
0x41: {  	_ =	shalt  }
0x42: {  	_ =	shalt  }
0x43: {  	_ =	shalt  }
0x44: {  	_ =	shalt  }
0x45: {  	_ =	shalt  }
0x46: {  	_ =	shalt  }
0x47: {  	_ =	shalt  }
0x48: {  	_ =	shalt  }
0x49: {  	_ =	shalt  }
0x4a: {  	_ =	shalt  }
0x4b: {  	_ =	shalt  }
0x4c: {  	_ =	shalt  }
0x4d: {  	_ =	shalt  }
0x4e: {  	_ =	shalt  }
0x4f: {  	_ =	shalt  }
0x50: {  	_ =	shalt  }
0x51: {  	_ =	shalt  }
0x52: {  	_ =	shalt  }
0x53: {  	_ =	shalt  }
0x54: {  	_ =	shalt  }
0x55: {  	_ =	shalt  }
0x56: {  	_ =	shalt  }
0x57: {  	_ =	shalt  }
0x58: {  	_ =	shalt  }
0x59: {  	_ =	shalt  }
0x5a: {  	_ =	shalt  }
0x5b: {  	_ =	shalt  }
0x5c: {  	_ =	shalt  }
0x5d: {  	_ =	shalt  }
0x5e: {  	_ =	shalt  }
0x5f: {  	_ =	shalt  }
0x60: {  	_ =	shalt  }
0x61: {  	_ =	shalt  }
0x62: {  	_ =	shalt  }
0x63: {  	_ =	shalt  }
0x64: {  	_ =	shalt  }
0x65: {  	_ =	shalt  }
0x66: {  	_ =	shalt  }
0x67: {  	_ =	shalt  }
0x68: {  	_ =	shalt  }
0x69: {  	_ =	shalt  }
0x6a: {  	_ =	shalt  }
0x6b: {  	_ =	shalt  }
0x6c: {  	_ =	shalt  }
0x6d: {  	_ =	shalt  }
0x6e: {  	_ =	shalt  }
0x6f: {  	_ =	shalt  }
0x70: {  	_ =	shalt  }
0x71: {  	_ =	shalt  }
0x72: {  	_ =	shalt  }
0x73: {  	_ =	shalt  }
0x74: {  	_ =	shalt  }
0x75: {  	_ =	shalt  }
0x76: {  	_ =	shalt  }
0x77: {  	_ =	shalt  }
0x78: {  	_ =	shalt  }
0x79: {  	_ =	shalt  }
0x7a: {  	_ =	shalt  }
0x7b: {  	_ =	shalt  }
0x7c: {  	_ =	shalt  }
0x7d: {  	_ =	shalt  }
0x7e: {  	_ =	shalt  }
0x7f: {  	_ =	shalt  }
0x80: {  	_ =	shalt  }
0x81: {  	_ =	shalt  }
0x82: {  	_ =	shalt  }
0x83: {  	_ =	shalt  }
0x84: {  	_ =	shalt  }
0x85: {  	_ =	shalt  }
0x86: {  	_ =	shalt  }
0x87: {  	_ =	shalt  }
.Lfunc_end0:
.L_simem_size_0:
called_computation.1_lowered:
.L_overlay_start_0:
0x88: {  	s2 =	sld [smem:$0x3FD9]  }
0x89: {  	s3 =	sld [smem:$0x3FFE];
	_ =	sdelay $0x1  }
0x8a: {  	s1 =	srdreg.scid  }
0x8b: {  	s0 =	sand.u32 $0x1, s1  }
0x8c: {  	s17 =	sshll.u32 s0, $0xA;
	s2 =	sadd.s32 s3, s2  }
0x8d: {  	s2 =	sadd.s32 s2, s17  }
0x8e: {  	[smem:$0x3FC6] =	sst s2  }
0x8f: {  	_ = 	snop  }
0x90: {  	s2 =	sld [smem:$0x3FD0];
	(tm) =	ssettm $0x1  }
0x91: {  	s18 =	sld [smem:$0x3FFB];
	_ =	sdelay $0x3  }
0x92: {  	_ =	strace s18  }
0x93: {  	s3 =	sld [smem:$0x3FFC];
	_ =	sdelay $0x3  }
0x94: {  	_ =	strace s3  }
0x95: {  	s3 =	sld [smem:$0x3FFD];
	_ =	sdelay $0x3  }
0x96: {  	_ =	strace s3  }
0x97: {  	_ =	strace $0x8FFFFFFF  }
0x98: {  	s19 =	sld [smem:$0x3FDB];
	_ =	sdelay $0x1  }
0x99: {  	s4 =	simm.s32 $_scs_section_size  }
0x9a: {  	s5 =	simm.s32 $_size__tile_overlayer_lowered;
	s6 =	simm.s32 $_tile_overlayer_lowered  }
0x9b: {  	s22 =	simm.s32 $0x1BFF;
	s21 =	sshll.u32 s6, $0x1;
	s3 =	sadd.s32 s4, s19  }
0x9c: {  	s7 =	simm.s32 $0x0;
	s20 =	sshll.u32 s5, $0x1;
	s5 =	sadd.s32 s21, s3  }
0x9d: {  	[timem:s7], [sflag:s22] =	dma.local [hbm:s5], s20  }
0x9e: {  	_ =	swait.ge [sflag:s22], s20  }
0x9f: {  	s4 =	ssub.s32 $0x0, s20;
	[sflag:s22] =	ssyncset.done $0x0  }
0xa0: {  	[sflag:s22] =	ssyncadd.s32 s4;
	_ =	sdelay $0x1  }
0xa1: {  	s23 =	simm.s32 $0x1B8B  }
0xa2: {  	_ =	swait.ge [sflag:s23], $0x1  }
0xa3: {  	[sflag:s23] =	ssyncset.done $0x0  }
0xa4: {  	s25 =	simm.s32 $0x1B8E;
	s24 =	sld [smem:$0x3FFE];
	[sflag:s23] =	ssyncadd.s32 $0xFFFFFFFF  }
0xa5: {  	s26 =	simm.s32 $execute0_lowered;
	[smem:$0x3FD2] =	sst s25  }
0xa6: {  	s5 =	sshll.u32 s26, $0x1;
	_ =	strace $0x80000046;
	[dreg:$0x1] =	wrdreg $0xFFFFFFFF  }
0xa7: {  	s28 =	simm.s32 $_size_execute0_lowered;
	s3 =	sadd.s32 s3, s5;
	[dreg:$0x0] =	wrdreg $0x0  }
0xa8: {  	s5 =	sshll.u32 s28, $0x1;
	[dreg:$0x2] =	wrdreg s3  }
0xa9: {  	[dreg:$0x3] =	wrdreg s5  }
0xaa: {  	[dreg:$0x4] =	wrdreg $0xC0  }
0xab: {  	_ =	task [dreg:s7], $0x5FFFF  }
0xac: {  	[dreg:$0x1] =	wrdreg $0xFFFFFFFF  }
0xad: {  	[dreg:$0x0] =	wrdreg $0x60  }
0xae: {  	[dreg:$0x2] =	wrdreg s24  }
0xaf: {  	[dreg:$0x3] =	wrdreg s2  }
0xb0: {  	[dreg:$0x4] =	wrdreg $0x9  }
0xb1: {  	_ =	task.clear_ibuf [dreg:s7], $0x5FFFF;
	_ =	strace $0x90000046  }
0xb2: {  	s29 =	simm.s32 $0x9;
	_ =	strace $0x80000048  }
0xb3: {  	_ =	swait.ge [sflag:s29], $0x1  }
0xb4: {  	[sflag:s29] =	ssyncadd.s32 $0xFFFFFFFF  }
0xb5: {  	_ =	strace $0x90000048  }
0xb6: {  	_ =	sfence  }
0xb7: {  	s30 =	sld [smem:$0x0];
	_ =	sdelay $0x2  }
0xb8: {  	s31 =	sshll.u32 s1, $0xD;
	s1 =	sshrl.u32 s1, $0x2  }
0xb9: {  	s3 =	sand.u32 $0x4000, s31;
	s1 =	sadd.s32 s1, s30  }
0xba: {  	s0 =	sor.u32 s3, s0;
	s1 =	sshll.u32 s1, $0x11  }
0xbb: {  	s0 =	sor.u32 s1, s0  }
0xbc: {  	s0 =	sadd.s32 $0x8F2B, s0  }
0xbd: {  	[sflag:s0] =	ssyncadd.remote.s32 $0x1  }
0xbe: {  	_ =	sfence.sel $0xFFFF  }
0xbf: {  	[dreg:$0x0] =	wrdreg $0xFFFFFFFF;
	(pc) =	sbr.abs _section_cstart, $3  }
0xc0: {  	[dreg:$0x1] =	wrdreg $0xFFFFFFFF  }
0xc1: {  	_ =	task.clear_ibuf [dreg:s7], $0x2FFFF;
	_ =	strace $0x9FFFFFFF  }
0xc2: {  	(tm) =	ssettm $0x7FFFFFFF  }
0xc3: {  	_ =	shalt  }
tec
execute0_lowered:
.L_overlay_start_1:
0x0: {  	(tag) =	ssettag $0x1  }
0x1: {  	s0 =	rddreg [dreg:$0x0]  }
0x2: {  	s1 =	rddreg [dreg:$0x1]  }
0x3: {  	s3 =	srdreg.scid;
	s10 =	stileid.u32  }
0x4: {  	s2 =	simm.s32 $0x0;
	s13 =	simm.s32 $0x80;
	s14 =	simm.s32 $0x6400  }
0x5: {  	s15 =	simm.s32 $0xA400;
	s17 =	simm.s32 $0xE400;
	s19 =	simm.s32 $0x12400  }
0x6: {  	s28 =	simm.s32 $0x6;
	s29 =	simm.s32 $0x7;
	s9 =	smul.u32 $0x190, s10  }
0x7: {  	s7 =	sand.u32 $0x1, s3;
	s20 =	sshll.u32 s10, $0x1;
	s10 =	smul.u32 $0xC8000, s10  }
0x8: {  	s30 =	simm.s32 $0x8;
	s31 =	simm.s32 $0x9;
	s23 =	smul.u32 $0xC8, s7  }
0x9: {  	[smem:$0x7FF] =	sst s2;
	s4 =	sor.u32 s7, s20;
	s11 =	smul.u32 $0x64000, s7  }
0xa: {  	s3 =	sadd.s32 $0xF43000, s0;
	s6 =	ssub.s32 $0x2, s7;
	s5 =	smul.u32 $0xC80, s4  }
0xb: {  	_ =	strace $0x80000047;
	s8 =	smul.u32 $0x320000, s4;
	s21 =	sshrl.u32 s6, $0x1  }
0xc: {  	s4 =	sadd.s32 $0xA00, s0;
	s0 =	ssub.s32 s6, s21;
	s9 =	sadd.s32 s23, s9  }
0xd: {  	s26 =	sadd.s32 s11, s10;
	s21 =	simm.s32 $0x16400;
	s23 =	simm.s32 $0x2  }
0xe: {  	s22 =	sshrl.u32 s8, $0x3;
	s1 =	sadd.s32 s1, s5;
	s12 =	sshll.u32 s9, $0xB  }
0xf: {  	s11 =	smax.u32 s0, $0x1;
	[dreg:$0x4] =	wrdreg s26;
	s26 =	simm.s32 $0x5  }
0x10: {  	s0 =	simm.s32 $0xA;
	[dreg:$0x5] =	wrdreg s1;
	s24 =	sadd.s32 s4, s22  }
0x11: {  	[dreg:$0x3] =	wrdreg s12;
	s12 =	simm.s32 $0xB;
	s22 =	simm.s32 $0x1  }
0x12: {  	s1 =	simm.s32 $0x0;
	s25 =	sadd.s32 $0x61800, s24;
	s7 =	sadd.s32 $0x62000, s24  }
0x13: {  	s8 =	sadd.s32 $0x62800, s24;
	s9 =	sadd.s32 $0x63000, s24;
	s10 =	sadd.s32 $0x63800, s24  }
0x14: {  	s24 =	simm.s32 $0x3;
	[dreg:$0x6] =	wrdreg s25;
	s25 =	simm.s32 $0x4  }
.LBB2_1:
0x15: {  	s5 =	rddreg [dreg:$0x5]  }
0x16: {  	[tilespmem:s2], [sflag:$0xB] =	stream.linear.gather [hbm4b:s5+s2], $0x6400, $0x38;
	[tilespmem:$0x1A400] =	vst v63  }
0x17: {  	_ =	swait.ge [sflag:s12], $0x6400  }
0x18: {  	[sflag:s12] =	ssyncset.done $0x0  }
0x19: {  	[sflag:s12] =	ssyncadd.s32 $0xFFFF9C00  }
0x1a: {  	[tilespmem:s14], [sflag:$0x1] =	stream.indirect.gather [hbm4b:s3+s13], $0x80, s2, s13, $0xb8;
	[tilespmem:$0x1A400] =	vst v63  }
0x1b: {  	_ = 	snop  }
0x1c: {  	[tilespmem:s15], [sflag:$0x2] =	stream.indirect.gather [hbm4b:s3+s13], $0x80, s13, s13, $0xb8;
	[tilespmem:$0x1A400] =	vst v63  }
0x1d: {  	s16 =	simm.s32 $0x100  }
0x1e: {  	[tilespmem:s17], [sflag:$0x3] =	stream.indirect.gather [hbm4b:s3+s13], $0x80, s16, s13, $0xb8;
	[tilespmem:$0x1A400] =	vst v63  }
0x1f: {  	s18 =	simm.s32 $0x180  }
0x20: {  	[tilespmem:s19], [sflag:$0x4] =	stream.indirect.gather [hbm4b:s3+s13], $0x80, s18, s13, $0xb8;
	[tilespmem:$0x1A400] =	vst v63  }
0x21: {  	s20 =	simm.s32 $0x200  }
0x22: {  	[tilespmem:s21], [sflag:$0x5] =	stream.indirect.gather [hbm4b:s3+s13], $0x80, s20, s13, $0xb8;
	[tilespmem:$0x1A400] =	vst v63  }
0x23: {  	_ =	swait.ge [sflag:s22], $0x4000  }
0x24: {  	s16 =	rddreg [dreg:$0x4];
	[sflag:s22] =	ssyncset.done $0x0  }
0x25: {  	[sflag:s22] =	ssyncadd.s32 $0xFFFFC000;
	s16 =	sadd.s32 s4, s16  }
0x26: {  	[hbm4b:s16+s2] =	stream.linear.scatter [tilespmem:s14], [sflag:$0x6], $0x4000, $0x38;
	[tilespmem:$0x1A400] =	vst v63  }
0x27: {  	_ =	swait.ge [sflag:s23], $0x4000  }
0x28: {  	s5 =	rddreg [dreg:$0x3]  }
0x29: {  	[sflag:s23] =	ssyncset.done $0x0;
	s16 =	sadd.s32 s4, s5  }
0x2a: {  	[sflag:s23] =	ssyncadd.s32 $0xFFFFC000;
	s18 =	sadd.s32 $0x800, s16  }
0x2b: {  	[hbm4b:s18+s2] =	stream.linear.scatter [tilespmem:s15], [sflag:$0x7], $0x4000, $0x38;
	[tilespmem:$0x1A400] =	vst v63  }
0x2c: {  	_ =	swait.ge [sflag:s24], $0x4000  }
0x2d: {  	[sflag:s24] =	ssyncset.done $0x0  }
0x2e: {  	s6 =	sadd.s32 $0x1000, s16;
	[sflag:s24] =	ssyncadd.s32 $0xFFFFC000  }
0x2f: {  	[hbm4b:s6+s2] =	stream.linear.scatter [tilespmem:s17], [sflag:$0x8], $0x4000, $0x38;
	[tilespmem:$0x1A400] =	vst v63  }
0x30: {  	_ =	swait.ge [sflag:s25], $0x4000  }
0x31: {  	[sflag:s25] =	ssyncset.done $0x0  }
0x32: {  	s20 =	sadd.s32 $0x1800, s16;
	[sflag:s25] =	ssyncadd.s32 $0xFFFFC000  }
0x33: {  	[hbm4b:s20+s2] =	stream.linear.scatter [tilespmem:s19], [sflag:$0x9], $0x4000, $0x38;
	[tilespmem:$0x1A400] =	vst v63  }
0x34: {  	_ =	swait.ge [sflag:s26], $0x4000  }
0x35: {  	[sflag:s26] =	ssyncset.done $0x0  }
0x36: {  	s16 =	sadd.s32 $0x2000, s16;
	[sflag:s26] =	ssyncadd.s32 $0xFFFFC000  }
0x37: {  	[hbm4b:s16+s2] =	stream.linear.scatter [tilespmem:s21], [sflag:$0xA], $0x4000, $0x38;
	[tilespmem:$0x1A400] =	vst v63  }
0x38: {  	_ =	swait.ge [sflag:s28], $0x4000  }
0x39: {  	[sflag:s28] =	ssyncset.done $0x0  }
0x3a: {  	s5 =	simm.s32 $0x280;
	[sflag:s28] =	ssyncadd.s32 $0xFFFFC000  }
0x3b: {  	[tilespmem:s14], [sflag:$0x1] =	stream.indirect.gather [hbm4b:s3+s13], $0x80, s5, s13, $0xb8;
	[tilespmem:$0x1A400] =	vst v63  }
0x3c: {  	_ =	swait.ge [sflag:s29], $0x4000  }
0x3d: {  	[sflag:s29] =	ssyncset.done $0x0  }
0x3e: {  	s6 =	simm.s32 $0x300;
	[sflag:s29] =	ssyncadd.s32 $0xFFFFC000  }
0x3f: {  	[tilespmem:s15], [sflag:$0x2] =	stream.indirect.gather [hbm4b:s3+s13], $0x80, s6, s13, $0xb8;
	[tilespmem:$0x1A400] =	vst v63  }
0x40: {  	_ =	swait.ge [sflag:s30], $0x4000  }
0x41: {  	[sflag:s30] =	ssyncset.done $0x0  }
0x42: {  	s18 =	simm.s32 $0x380;
	[sflag:s30] =	ssyncadd.s32 $0xFFFFC000  }
0x43: {  	[tilespmem:s17], [sflag:$0x3] =	stream.indirect.gather [hbm4b:s3+s13], $0x80, s18, s13, $0xb8;
	[tilespmem:$0x1A400] =	vst v63  }
0x44: {  	_ =	swait.ge [sflag:s31], $0x4000  }
0x45: {  	[sflag:s31] =	ssyncset.done $0x0  }
0x46: {  	s20 =	simm.s32 $0x400;
	[sflag:s31] =	ssyncadd.s32 $0xFFFFC000  }
0x47: {  	[tilespmem:s19], [sflag:$0x4] =	stream.indirect.gather [hbm4b:s3+s13], $0x80, s20, s13, $0xb8;
	[tilespmem:$0x1A400] =	vst v63  }
0x48: {  	_ =	swait.ge [sflag:s0], $0x4000  }
0x49: {  	s16 =	simm.s32 $0xA00;
	[sflag:s0] =	ssyncset.done $0x0  }
0x4a: {  	s18 =	sadd.s32 $0x2800, s4;
	s20 =	simm.s32 $0x480;
	[sflag:s0] =	ssyncadd.s32 $0xFFFFC000  }
.LBB2_2:
0x4b: {  	[tilespmem:s21], [sflag:$0x5] =	stream.indirect.gather [hbm4b:s3+s13], $0x80, s20, s13, $0xb8;
	[tilespmem:$0x1A400] =	vst v63  }
0x4c: {  	_ =	swait.ge [sflag:s22], $0x4000  }
0x4d: {  	s5 =	rddreg [dreg:$0x4];
	[sflag:s22] =	ssyncset.done $0x0  }
0x4e: {  	[sflag:s22] =	ssyncadd.s32 $0xFFFFC000;
	s5 =	sadd.s32 s18, s5  }
0x4f: {  	[hbm4b:s5+s2] =	stream.linear.scatter [tilespmem:s14], [sflag:$0x6], $0x4000, $0x38;
	[tilespmem:$0x1A400] =	vst v63  }
0x50: {  	_ =	swait.ge [sflag:s23], $0x4000  }
0x51: {  	s6 =	rddreg [dreg:$0x3]  }
0x52: {  	[sflag:s23] =	ssyncset.done $0x0;
	s5 =	sadd.s32 s18, s6  }
0x53: {  	[sflag:s23] =	ssyncadd.s32 $0xFFFFC000;
	s6 =	sadd.s32 $0x800, s5  }
0x54: {  	[hbm4b:s6+s2] =	stream.linear.scatter [tilespmem:s15], [sflag:$0x7], $0x4000, $0x38;
	[tilespmem:$0x1A400] =	vst v63  }
0x55: {  	_ =	swait.ge [sflag:s24], $0x4000  }
0x56: {  	[sflag:s24] =	ssyncset.done $0x0  }
0x57: {  	s6 =	sadd.s32 $0x1000, s5;
	[sflag:s24] =	ssyncadd.s32 $0xFFFFC000  }
0x58: {  	[hbm4b:s6+s2] =	stream.linear.scatter [tilespmem:s17], [sflag:$0x8], $0x4000, $0x38;
	[tilespmem:$0x1A400] =	vst v63  }
0x59: {  	_ =	swait.ge [sflag:s25], $0x4000  }
0x5a: {  	[sflag:s25] =	ssyncset.done $0x0  }
0x5b: {  	s6 =	sadd.s32 $0x1800, s5;
	[sflag:s25] =	ssyncadd.s32 $0xFFFFC000  }
0x5c: {  	[hbm4b:s6+s2] =	stream.linear.scatter [tilespmem:s19], [sflag:$0x9], $0x4000, $0x38;
	[tilespmem:$0x1A400] =	vst v63  }
0x5d: {  	_ =	swait.ge [sflag:s26], $0x4000  }
0x5e: {  	[sflag:s26] =	ssyncset.done $0x0  }
0x5f: {  	s5 =	sadd.s32 $0x2000, s5;
	[sflag:s26] =	ssyncadd.s32 $0xFFFFC000  }
0x60: {  	[hbm4b:s5+s2] =	stream.linear.scatter [tilespmem:s21], [sflag:$0xA], $0x4000, $0x38;
	[tilespmem:$0x1A400] =	vst v63  }
0x61: {  	s20 =	smov.u32 s16;
	_ =	swait.ge [sflag:s28], $0x4000  }
0x62: {  	s5 =	sshra.s32 s20, $0x2;
	[sflag:s28] =	ssyncset.done $0x0  }
0x63: {  	s20 =	sadd.s32 $0x280, s5;
	[sflag:s28] =	ssyncadd.s32 $0xFFFFC000  }
0x64: {  	[tilespmem:s14], [sflag:$0x1] =	stream.indirect.gather [hbm4b:s3+s13], $0x80, s20, s13, $0xb8;
	[tilespmem:$0x1A400] =	vst v63  }
0x65: {  	_ =	swait.ge [sflag:s29], $0x4000  }
0x66: {  	[sflag:s29] =	ssyncset.done $0x0  }
0x67: {  	s20 =	sadd.s32 $0x300, s5;
	[sflag:s29] =	ssyncadd.s32 $0xFFFFC000  }
0x68: {  	[tilespmem:s15], [sflag:$0x2] =	stream.indirect.gather [hbm4b:s3+s13], $0x80, s20, s13, $0xb8;
	[tilespmem:$0x1A400] =	vst v63  }
0x69: {  	_ =	swait.ge [sflag:s30], $0x4000  }
0x6a: {  	[sflag:s30] =	ssyncset.done $0x0  }
0x6b: {  	s20 =	sadd.s32 $0x380, s5;
	[sflag:s30] =	ssyncadd.s32 $0xFFFFC000  }
0x6c: {  	[tilespmem:s17], [sflag:$0x3] =	stream.indirect.gather [hbm4b:s3+s13], $0x80, s20, s13, $0xb8;
	[tilespmem:$0x1A400] =	vst v63  }
0x6d: {  	_ =	swait.ge [sflag:s31], $0x4000  }
0x6e: {  	p0 =	sne.s32 s16, $0x17C00;
	[sflag:s31] =	ssyncset.done $0x0  }
.Ltmp0:
0x6f: {  	s20 =	sadd.s32 $0x400, s5;
	[sflag:s31] =	ssyncadd.s32 $0xFFFFC000;
	(pc) =	sbr.rel @p0 .LBB2_2-.Ltmp0, $4  }
0x70: {  	[tilespmem:s19], [sflag:$0x4] =	stream.indirect.gather [hbm4b:s3+s13], $0x80, s20, s13, $0xb8;
	[tilespmem:$0x1A400] =	vst v63  }
0x71: {  	_ =	swait.ge [sflag:s0], $0x4000  }
0x72: {  	s16 =	sadd.s32 $0xA00, s16;
	[sflag:s0] =	ssyncset.done $0x0  }
0x73: {  	s18 =	sadd.s32 $0x2800, s18;
	s20 =	sadd.s32 $0x480, s5;
	[sflag:s0] =	ssyncadd.s32 $0xFFFFC000  }
0x74: {  	[tilespmem:s21], [sflag:$0x5] =	stream.indirect.gather [hbm4b:s3+s13], $0x80, s20, s13, $0xb8;
	[tilespmem:$0x1A400] =	vst v63  }
0x75: {  	_ =	swait.ge [sflag:s22], $0x4000  }
0x76: {  	[sflag:s22] =	ssyncset.done $0x0  }
0x77: {  	s5 =	rddreg [dreg:$0x6];
	[sflag:s22] =	ssyncadd.s32 $0xFFFFC000  }
0x78: {  	[hbm4b:s5+s2] =	stream.linear.scatter [tilespmem:s14], [sflag:$0x6], $0x4000, $0x38;
	[tilespmem:$0x1A400] =	vst v63  }
0x79: {  	_ =	swait.ge [sflag:s23], $0x4000  }
0x7a: {  	[sflag:s23] =	ssyncset.done $0x0  }
0x7b: {  	[sflag:s23] =	ssyncadd.s32 $0xFFFFC000  }
0x7c: {  	[hbm4b:s7+s2] =	stream.linear.scatter [tilespmem:s15], [sflag:$0x7], $0x4000, $0x38;
	[tilespmem:$0x1A400] =	vst v63  }
0x7d: {  	_ =	swait.ge [sflag:s24], $0x4000  }
0x7e: {  	[sflag:s24] =	ssyncset.done $0x0  }
0x7f: {  	[sflag:s24] =	ssyncadd.s32 $0xFFFFC000  }
0x80: {  	[hbm4b:s8+s2] =	stream.linear.scatter [tilespmem:s17], [sflag:$0x8], $0x4000, $0x38;
	[tilespmem:$0x1A400] =	vst v63  }
0x81: {  	_ =	swait.ge [sflag:s25], $0x4000  }
0x82: {  	[sflag:s25] =	ssyncset.done $0x0  }
0x83: {  	[sflag:s25] =	ssyncadd.s32 $0xFFFFC000  }
0x84: {  	[hbm4b:s9+s2] =	stream.linear.scatter [tilespmem:s19], [sflag:$0x9], $0x4000, $0x38;
	[tilespmem:$0x1A400] =	vst v63  }
0x85: {  	_ =	swait.ge [sflag:s26], $0x4000  }
0x86: {  	[sflag:s26] =	ssyncset.done $0x0  }
0x87: {  	[sflag:s26] =	ssyncadd.s32 $0xFFFFC000  }
0x88: {  	[hbm4b:s10+s2] =	stream.linear.scatter [tilespmem:s21], [sflag:$0xA], $0x4000, $0x38;
	[tilespmem:$0x1A400] =	vst v63  }
0x89: {  	_ =	swait.ge [sflag:s28], $0x4000  }
0x8a: {  	[sflag:s28] =	ssyncset.done $0x0  }
0x8b: {  	[sflag:s28] =	ssyncadd.s32 $0xFFFFC000  }
0x8c: {  	_ =	swait.ge [sflag:s29], $0x4000  }
0x8d: {  	[sflag:s29] =	ssyncset.done $0x0  }
0x8e: {  	[sflag:s29] =	ssyncadd.s32 $0xFFFFC000  }
0x8f: {  	_ =	swait.ge [sflag:s30], $0x4000  }
0x90: {  	[sflag:s30] =	ssyncset.done $0x0  }
0x91: {  	s1 =	sadd.s32 $0x1, s1;
	[sflag:s30] =	ssyncadd.s32 $0xFFFFC000  }
0x92: {  	p0 =	sne.s32 s1, s11;
	_ =	swait.ge [sflag:s31], $0x4000  }
.Ltmp1:
0x93: {  	[sflag:s31] =	ssyncset.done $0x0;
	(pc) =	sbr.rel @p0 .LBB2_1-.Ltmp1, $4  }
0x94: {  	[sflag:s31] =	ssyncadd.s32 $0xFFFFC000  }
0x95: {  	_ =	swait.ge [sflag:s0], $0x4000  }
0x96: {  	[sflag:s0] =	ssyncset.done $0x0  }
0x97: {  	[sflag:s0] =	ssyncadd.s32 $0xFFFFC000  }
0x98: {  	_ =	sfence.sel $0x180000  }
0x99: {  	[bflag:$0x0] =	sbarrier.arrive $0xFFFF  }
0x9a: {  	_ =	strace $0x90000047  }
0x9b: {  	s0 =	stileid.u32;
	[bflag:$0x2] =	sbarrier.arrive $0xFFFF  }
0x9c: {  	p0 =	sne.s32 s0, $0x0;
	s0 =	rddreg [dreg:$0x2]  }
0x9d: {  	s0 =	sadd.s32 @!p0 $0x100000, s0  }
0x9e: {  	[sflag:s0] =	ssyncadd.tile.s32 @!p0 $0x1;
	_ =	shalt  }
.Lfunc_end2:
_tile_overlayer_lowered:
.L_overlay_start_2:
0x9f: {  	(tag) =	ssettag $0x2  }
0xa0: {  	s0 =	rddreg [dreg:$0x0];
	s2 =	stileid.u32  }
0xa1: {  	s1 =	rddreg [dreg:$0x1];
	p0 =	sne.s32 s2, $0x0  }
0xa2: {  	s3 =	rddreg [dreg:$0x2];
	[bflag:$0x3] =	sbarrier.arrive $0xFFFF;
	s2 =	simm.s32 @!p0 $0x1C0B  }
0xa3: {  	[timem:s3], [sflag:s2] =	dma.local @!p0 [hbm:s0], s1  }
0xa4: {  	s0 =	simm.s32 @!p0 $0xB  }
0xa5: {  	_ =	swait.ge @!p0 [sflag:s0], s1  }
0xa6: {  	s1 =	ssub.s32 @!p0 $0x0, s1;
	[sflag:s0] =	ssyncset.done @!p0 $0x0  }
0xa7: {  	[sflag:s0] =	ssyncadd.s32 @!p0 s1  }
0xa8: {  	[bflag:$0x3] =	sbarrier.arrive $0xFFFF  }
0xa9: {  	_ =	shalt  }

// kernel: sparse-core-data-format-call.cloned.1.call-start
scs
called_computation_lowered:
.L_overlay_start_0:
0x0: {  	s2 =	sld [smem:$0x3FD9]  }
0x1: {  	s3 =	sld [smem:$0x3FFE];
	_ =	sdelay $0x1  }
0x2: {  	s1 =	srdreg.scid  }
0x3: {  	s0 =	sand.u32 $0x1, s1  }
0x4: {  	s18 =	sshll.u32 s0, $0xA;
	s2 =	sadd.s32 s3, s2  }
0x5: {  	s2 =	sadd.s32 s2, s18  }
0x6: {  	[smem:$0x3FC6] =	sst s2  }
0x7: {  	_ = 	snop  }
0x8: {  	s2 =	sld [smem:$0x3FD0];
	(tm) =	ssettm $0x1  }
0x9: {  	s19 =	sld [smem:$0x3FFB];
	_ =	sdelay $0x3  }
0xa: {  	_ =	strace s19  }
0xb: {  	s3 =	sld [smem:$0x3FFC];
	_ =	sdelay $0x3  }
0xc: {  	_ =	strace s3  }
0xd: {  	s3 =	sld [smem:$0x3FFD];
	_ =	sdelay $0x3  }
0xe: {  	_ =	strace s3  }
0xf: {  	_ =	strace $0x8FFFFFFF  }
0x10: {  	s20 =	sld [smem:$0x3FDB];
	_ =	sdelay $0x1  }
0x11: {  	s4 =	simm.s32 $_scs_section_size  }
0x12: {  	s5 =	simm.s32 $_size__tile_overlayer_lowered;
	s6 =	simm.s32 $_tile_overlayer_lowered  }
0x13: {  	s23 =	simm.s32 $0x1BFF;
	s22 =	sshll.u32 s6, $0x1;
	s3 =	sadd.s32 s4, s20  }
0x14: {  	s7 =	simm.s32 $0x0;
	s21 =	sshll.u32 s5, $0x1;
	s5 =	sadd.s32 s22, s3  }
0x15: {  	[timem:s7], [sflag:s23] =	dma.local [hbm:s5], s21  }
0x16: {  	_ =	swait.ge [sflag:s23], s21  }
0x17: {  	s4 =	ssub.s32 $0x0, s21;
	[sflag:s23] =	ssyncset.done $0x0  }
0x18: {  	[sflag:s23] =	ssyncadd.s32 s4;
	_ =	sdelay $0x1  }
0x19: {  	s24 =	simm.s32 $0x1B8B  }
0x1a: {  	_ =	swait.ge [sflag:s24], $0x1  }
0x1b: {  	[sflag:s24] =	ssyncset.done $0x0  }
0x1c: {  	s26 =	simm.s32 $0x1B8E;
	s25 =	sld [smem:$0x3FFE];
	[sflag:s24] =	ssyncadd.s32 $0xFFFFFFFF  }
0x1d: {  	s27 =	simm.s32 $execute0_lowered;
	[smem:$0x3FD2] =	sst s26  }
0x1e: {  	s5 =	sshll.u32 s27, $0x1;
	_ =	strace $0x80000049;
	[dreg:$0x1] =	wrdreg $0xFFFFFFFF  }
0x1f: {  	s28 =	simm.s32 $_size_execute0_lowered;
	s3 =	sadd.s32 s3, s5;
	[dreg:$0x0] =	wrdreg $0x0  }
0x20: {  	s5 =	sshll.u32 s28, $0x1;
	[dreg:$0x2] =	wrdreg s3  }
0x21: {  	[dreg:$0x3] =	wrdreg s5  }
0x22: {  	[dreg:$0x4] =	wrdreg $0xC0  }
0x23: {  	_ =	task [dreg:s7], $0x5FFFF  }
0x24: {  	[dreg:$0x1] =	wrdreg $0xFFFFFFFF  }
0x25: {  	[dreg:$0x0] =	wrdreg $0x60  }
0x26: {  	[dreg:$0x2] =	wrdreg s25  }
0x27: {  	[dreg:$0x3] =	wrdreg s2  }
0x28: {  	[dreg:$0x4] =	wrdreg $0x9  }
0x29: {  	_ =	task.clear_ibuf [dreg:s7], $0x5FFFF;
	_ =	strace $0x90000049  }
0x2a: {  	s29 =	simm.s32 $0x9;
	_ =	strace $0x8000004B  }
0x2b: {  	_ =	swait.ge [sflag:s29], $0x1  }
0x2c: {  	[sflag:s29] =	ssyncadd.s32 $0xFFFFFFFF  }
0x2d: {  	_ =	strace $0x9000004B  }
0x2e: {  	_ =	sfence  }
0x2f: {  	s30 =	sld [smem:$0x0];
	_ =	sdelay $0x2  }
0x30: {  	s31 =	sshll.u32 s1, $0xD;
	s1 =	sshrl.u32 s1, $0x2  }
0x31: {  	s3 =	sand.u32 $0x4000, s31;
	s1 =	sadd.s32 s1, s30  }
0x32: {  	s0 =	sor.u32 s3, s0;
	s1 =	sshll.u32 s1, $0x11  }
0x33: {  	s0 =	sor.u32 s1, s0  }
0x34: {  	s0 =	sadd.s32 $0x8F2B, s0  }
0x35: {  	[sflag:s0] =	ssyncadd.remote.s32 $0x1  }
0x36: {  	_ =	sfence.sel $0xFFFF  }
0x37: {  	[dreg:$0x0] =	wrdreg $0xFFFFFFFF;
	(pc) =	sbr.abs _section_cstart, $3  }
0x38: {  	[dreg:$0x1] =	wrdreg $0xFFFFFFFF  }
0x39: {  	_ =	task.clear_ibuf [dreg:s7], $0x2FFFF;
	_ =	strace $0x9FFFFFFF  }
0x3a: {  	(tm) =	ssettm $0x7FFFFFFF  }
0x3b: {  	_ =	shalt  }
tec
execute0_lowered:
.L_overlay_start_1:
0x0: {  	(tag) =	ssettag $0x1  }
0x1: {  	s0 =	srdreg.scid  }
0x2: {  	s1 =	sshll.u32 s0, $0x4  }
0x3: {  	s0 =	stileid.u32;
	s1 =	sand.u32 $0x10, s1  }
0x4: {  	s1 =	sor.u32 s0, s1  }
0x5: {  	s6 =	rddreg [dreg:$0x0];
	s4 =	simm.s32 $0x1;
	s2 =	sshll.u32 s1, $0x7  }
0x6: {  	s7 =	simm.s32 $0x2;
	s12 =	simm.s32 $0x0;
	s1 =	ssub.s32 $0x1000, s2  }
0x7: {  	s8 =	simm.s32 $0x8000;
	s13 =	simm.s32 $0x0;
	s3 =	sand.u32 $0xF80, s1  }
0x8: {  	s9 =	simm.s32 $0x0;
	s5 =	sshrl.u32 s1, $0xC;
	p0 =	sne.s32 s3, $0x0  }
.Ltmp0:
0x9: {  	s1 =	rddreg [dreg:$0x2];
	s4 =	simm.s32 @!p0 $0x0;
	(pc) =	sbr.rel .LBB1_1-.Ltmp0, $4  }
0xa: {  	s11 =	simm.s32 $0x0;
	s3 =	rddreg [dreg:$0x1];
	s5 =	sadd.s32 s4, s5  }
0xb: {  	_ =	strace $0x8000004A;
	s4 =	simm.s32 $0x1;
	s5 =	smul.u32 $0xC8, s5  }
0xc: {  	s6 =	sadd.s32 $0xA00, s6;
	s10 =	smov.u32 s2;
	[sflag:s4] =	ssyncpa.u1 $0x0  }
0xd: {  	p0 =	por $0x0, $0x0;
	[sflag:s7] =	ssyncpa.u1 $0x0;
	s7 =	sor.u32 $0x1, s5  }
.LBB1_4:
0xe: {  	s16 =	sshll.u32 s13, $0x3;
	s17 =	sand.u32 $0x78, s13  }
0xf: {  	s30 =	sand.u32 $0x7E00, s13;
	s12 =	sshll.u32 s12, $0xF;
	s16 =	sand.u32 $0xC00, s16  }
0x10: {  	[tilespmem:s15+$0x810 ss:$0x81] =	vst.msk $0xffff, v2;
	s31 =	sand.u32 $0x7, s13;
	s16 =	sor.u32 s17, s16;
	s17 =	sadd.s32 s3, s30  }
0x11: {  	[tilespmem:s15+$0x1020 ss:$0x81] =	vst.msk $0xffff, v0;
	s13 =	sshll.u32 s31, $0x12;
	s12 =	sadd.s32 s12, s17;
	s16 =	sshrl.u32 s16, $0x3  }
0x12: {  	[tilespmem:s15+$0x0 ss:$0x81] =	vst.msk $0xffff, v1;
	s13 =	sor.u32 $0x400, s13;
	s12 =	sadd.s32 s16, s12  }
0x13: {  	[hbm4b:s12+s13] =	stream.strided.scatter [tilespmem:s14], [sflag:$0x2], $0x2000, s8, s13, $0x20;
	[tilespmem:$0x8080] =	vst v63  }
.LBB1_5:
0x14: {  	s14 =	sadd.s32 $0x1, s9  }
0x15: {  	s12 =	sadd.s32 $0x1000, s10;
	s16 =	smov.u32 s10;
	p2 =	sgt.s32 s14, $0xC7  }
0x16: {  	s16 =	smov.u32 @p2 s12  }
0x17: {  	s14 =	simm.s32 @p2 $0x0;
	p2 =	sgt.s32 s16, $0xFFF  }
0x18: {  	s16 =	smov.u32 @p2 s2;
	p2 =	sne.s32 s11, s7  }
.Ltmp1:
0x19: {  	p1 =	slt.u32 s11, $0x2;
	(pc) =	sbr.rel @!p2 .LBB1_6-.Ltmp1, $4  }
0x1a: {  	s15 =	simm.s32 @!p1 $0x2  }
0x1b: {  	s13 =	smov.u32 s10;
	p0 =	por !p0, !p0;
	_ =	swait.ge @!p1 [sflag:s15], $0x2000  }
0x1c: {  	s12 =	smov.u32 s9;
	[sflag:s15] =	ssyncset.done @!p1 $0x0;
	s9 =	smov.u32 s14  }
0x1d: {  	s11 =	sadd.s32 $0x1, s11;
	[sflag:s15] =	ssyncadd.s32 @!p1 $0xFFFFE000;
	s10 =	smov.u32 s16  }
.LBB1_1:
0x1e: {  	p1 =	sge.u32 s11, s5  }
0x1f: {  	s14 =	sand.u32 @!p1 $0x1FFFFFF, s9  }
0x20: {  	s15 =	smulhi.u32 @!p1 $0x147AE15, s14;
	_ =	sdelay $0x1  }
0x21: {  	s15 =	smul.u32 @!p1 $0xC8, s15  }
0x22: {  	s16 =	sxor.u32 @!p1 $0xFFFFFFFF, s11;
	s17 =	smul.u32 @!p1 $0xC80, s10  }
0x23: {  	s31 =	sadd.s32 $0xFFFFFFFF, s11;
	s16 =	sshll.u32 @!p1 s16, $0xD;
	s14 =	ssub.s32 @!p1 s14, s15  }
0x24: {  	s15 =	sand.u32 @!p1 $0x2000, s16;
	s16 =	sadd.s32 @!p1 s6, s17;
	s14 =	sshll.u32 @!p1 s14, $0x4  }
0x25: {  	s17 =	simm.s32 @!p1 $0x6400;
	s14 =	sadd.s32 @!p1 s14, s16;
	s16 =	simm.s32 @!p1 $0x40  }
0x26: {  	[tilespmem:s15], [sflag:$0x1] =	stream.strided.gather @!p1 [hbm4b:s14+s16], $0x2000, s17, s16, $0x38;
	[tilespmem:$0x8080] =	vst v63  }
0x27: {  	p1 =	sge.u32 s31, s5  }
.Ltmp2:
0x28: {  	_ = 	snop;
	(pc) =	sbr.rel @p1 .LBB1_5-.Ltmp2, $1  }
0x29: {  	_ =	sdelay $0x3  }
0x2a: {  	s14 =	simm.s32 $0x1  }
0x2b: {  	_ =	swait.ge [sflag:s4], $0x2000;
	s14 =	simm.s32 @!p0 $0x0  }
0x2c: {  	[sflag:s4] =	ssyncset.done $0x0;
	s15 =	sshll.u32 s14, $0xD  }
0x2d: {  	[sflag:s4] =	ssyncadd.s32 $0xFFFFE000;
	s18 =	sor.u32 $0x20, s15  }
0x2e: {  	s14 =	smul.u32 $0x8100, s14;
	v3 =	vld [tilespmem:s18+$0x10]  }
0x2f: {  	s30 =	sand.u32 $0x1, s11;
	v2 =	vld [tilespmem:s18+$0xFFFFFFF0]  }
0x30: {  	s15 =	smul.u32 $0x8100, s30;
	s14 =	sshrl.u32 s14, $0x2;
	v0 =	vld [tilespmem:s18+$0x0]  }
0x31: {  	v1 =	vld [tilespmem:s18+$0xFFFFFFE0];
	s16 =	sor.u32 $0x4000, s14  }
0x32: {  	s31 =	sshrl.u32 s15, $0x2;
	s15 =	sadd.s32 $0x0, s16  }
0x33: {  	s17 =	simm.s32 $0x4;
	s18 =	sadd.s32 $0x40, s18;
	s14 =	sor.u32 $0x4000, s31;
	[tilespmem:s15+$0x1830 ss:$0x81] =	vst.msk $0xffff, v3  }
.LBB1_3:
0x34: {  	v3 =	vld [tilespmem:s18+$0x10];
	p1 =	sne.s32 s17, $0x1FC;
	[tilespmem:s15+$0x810 ss:$0x81] =	vst.msk $0xffff, v2;
	s19 =	smov.u32 s17;
	s17 =	sadd.s32 $0x4, s17  }
.Ltmp3:
0x35: {  	v2 =	vld [tilespmem:s18+$0xFFFFFFF0];
	[tilespmem:s15+$0x1020 ss:$0x81] =	vst.msk $0xffff, v0;
	(pc) =	sbr.rel @p1 .LBB1_3-.Ltmp3, $4  }
0x36: {  	v0 =	vld [tilespmem:s18+$0x0];
	[tilespmem:s15+$0x0 ss:$0x81] =	vst.msk $0xffff, v1  }
0x37: {  	s15 =	sshra.s32 s19, $0x2;
	v1 =	vld [tilespmem:s18+$0xFFFFFFE0]  }
0x38: {  	s15 =	sadd.s32 s15, s16  }
0x39: {  	s18 =	sadd.s32 $0x40, s18;
	[tilespmem:s15+$0x1830 ss:$0x81] =	vst.msk $0xffff, v3  }
.Ltmp4:
0x3a: {  	_ = 	snop;
	(pc) =	sbr.rel .LBB1_4-.Ltmp4, $1  }
0x3b: {  	_ =	sdelay $0x3  }
.LBB1_6:
0x3c: {  	_ =	sfence.sel $0x180000  }
0x3d: {  	s2 =	simm.s32 $0x1;
	[bflag:$0x0] =	sbarrier.arrive $0xFFFF  }
0x3e: {  	s31 =	simm.s32 $0x2;
	[sflag:s2] =	ssyncpa.u1 $0x1  }
0x3f: {  	[sflag:s31] =	ssyncpa.u1 $0x1  }
0x40: {  	p0 =	sne.s32 s0, $0x0;
	_ =	strace $0x9000004A  }
0x41: {  	s0 =	sadd.s32 @!p0 $0x100000, s1;
	[bflag:$0x2] =	sbarrier.arrive $0xFFFF  }
0x42: {  	[sflag:s0] =	ssyncadd.tile.s32 @!p0 $0x1;
	_ =	shalt  }
.Lfunc_end1:
_tile_overlayer_lowered:
.L_overlay_start_2:
0x43: {  	(tag) =	ssettag $0x2  }
0x44: {  	s0 =	rddreg [dreg:$0x0];
	s2 =	stileid.u32  }
0x45: {  	s1 =	rddreg [dreg:$0x1];
	p0 =	sne.s32 s2, $0x0  }
0x46: {  	s3 =	rddreg [dreg:$0x2];
	[bflag:$0x3] =	sbarrier.arrive $0xFFFF;
	s2 =	simm.s32 @!p0 $0x1C01  }
0x47: {  	[timem:s3], [sflag:s2] =	dma.local @!p0 [hbm:s0], s1  }
0x48: {  	s0 =	simm.s32 @!p0 $0x1  }
0x49: {  	_ =	swait.ge @!p0 [sflag:s0], s1  }
0x4a: {  	s1 =	ssub.s32 @!p0 $0x0, s1;
	[sflag:s0] =	ssyncset.done @!p0 $0x0  }
0x4b: {  	[sflag:s0] =	ssyncadd.s32 @!p0 s1  }
0x4c: {  	[bflag:$0x3] =	sbarrier.arrive $0xFFFF  }
0x4d: {  	_ =	shalt  }

</sc_bundles>
